<compile_context>
chip_gen: v7x
topology: tpu7x:2x2x1
jax: 0.10.2.dev20260603
libtpu: 0.0.44.dev20260713+nightly
codegen_flags: <defaults>
</compile_context>

<pallas_src>
import functools

import jax
import jax.numpy as jnp
from jax import lax
from jax.experimental import pallas as pl
from jax.experimental.pallas import tpu as pltpu
from jax.experimental.pallas import tpu_sc as plsc

NH = 64
RL = 2
RH = 32
IC = 3
K = 1024
D = 64
CC = 0.25
B = 8
HW = 224
HQ = 56
NPIX = HQ * HQ
NTOK = B * NPIX

F32 = jnp.float32

_PHR = ((1, 0), (0, 1), (1, 1), (0, 2))

_TAPS2 = (
    ((0, 1, 0), (2, 0, 1)),
    ((1, 0, 1), (3, 1, 1)),
    ((0, 0, 1), (2, 1, 1)),
    ((1, 1, 1), (3, 0, 2)),
)

_TAPS1 = (((0, 0), (2, 1)), ((1, 1), (3, 2)))


def _dot(a, b):
    return lax.dot_general(a, b, (((1,), (0,)), ((), ())),
                           preferred_element_type=F32)


def _enc_body(xim_ref, w1_ref, b1_ref, w2_ref, b2_ref, w3_ref, b3_ref,
              er1_ref, eb1_ref, er2_ref, eb2_ref, pv_ref, pvb_ref, cbt_ref,
              csq_ref, idx_ref, mind_ref, ph1_ref, hp_ref, tp_ref):
    ph1_ref[...] = jnp.zeros((58, 58, 128), F32)
    ys = []
    for ph in range(4):
        xi = xim_ref[0, :, :, ph * 48:(ph + 1) * 48].reshape(NPIX, 48)
        ys.append(jnp.maximum(_dot(xi, w1_ref[ph]) + b1_ref[...], 0.0))
    y = jnp.concatenate(ys, axis=1)
    ph1_ref[1:57, 1:57, :] = y.reshape(HQ, HQ, 128)

    acc = None
    for orr in range(3):
        for oc in range(3):
            sl = ph1_ref[orr:orr + HQ, oc:oc + HQ, :].reshape(NPIX, 128)
            t = _dot(sl, w2_ref[orr * 3 + oc])
            acc = t if acc is None else acc + t
    h2 = jnp.maximum(acc + b2_ref[...], 0.0)
    hp_ref[...] = jnp.zeros((58, 58, NH), F32)
    hp_ref[1:57, 1:57, :] = h2.reshape(HQ, HQ, NH)

    h = None
    for di in range(3):
        for dj in range(3):
            sl = hp_ref[di:di + HQ, dj:dj + HQ, :].reshape(NPIX, NH)
            t = _dot(sl, w3_ref[di * 3 + dj])
            h = t if h is None else h + t
    h = h + b3_ref[...]

    for l in range(RL):
        tr = jnp.maximum(h, 0.0)
        tp_ref[...] = jnp.zeros((58, 58, NH), F32)
        tp_ref[1:57, 1:57, :] = tr.reshape(HQ, HQ, NH)
        t1 = None
        for di in range(3):
            for dj in range(3):
                sl = tp_ref[di:di + HQ, dj:dj + HQ, :].reshape(NPIX, NH)
                u = _dot(sl, er1_ref[l, di * 3 + dj])
                t1 = u if t1 is None else t1 + u
        t1 = jnp.maximum(t1 + eb1_ref[l], 0.0)
        t2 = _dot(t1, er2_ref[l]) + eb2_ref[l]
        h = h + t2
    h = jnp.maximum(h, 0.0)

    z = _dot(h, pv_ref[...]) + pvb_ref[...]

    cbt = cbt_ref[...]
    TT = 784
    for t in range(NPIX // TT):
        zt = z[t * TT:(t + 1) * TT, :]
        zsq = jnp.sum(zt * zt, axis=1, keepdims=True)
        dist = zsq - 2.0 * _dot(zt, cbt) + csq_ref[...]
        m = jnp.min(dist, axis=1, keepdims=True)
        ii = lax.broadcasted_iota(jnp.int32, (TT, K), 1)
        sel = jnp.where(dist <= m, ii, jnp.int32(1 << 30))
        idx_ref[0, 0, t * TT:(t + 1) * TT] = jnp.min(sel, axis=1)
        mind_ref[0, 0, t * TT:(t + 1) * TT] = m[:, 0]


def _dec_body(q_ref, mind_ref, idx_ref, d1_ref, d1b_ref,
              dr1_ref, db1_ref, dr2_ref, db2_ref,
              t1_ref, t1b_ref, t2_ref, t2b_ref,
              xr_ref, vq_ref, pp_ref, qp_ref, tp_ref, phT_ref, cnt_ref):
    b = pl.program_id(0)

    qp_ref[...] = jnp.zeros((58, 58, NH), F32)
    qp_ref[1:57, 1:57, :] = q_ref[0, :, :D].reshape(HQ, HQ, NH)
    h = None
    for di in range(3):
        for dj in range(3):
            sl = qp_ref[di:di + HQ, dj:dj + HQ, :].reshape(NPIX, NH)
            t = _dot(sl, d1_ref[di * 3 + dj])
            h = t if h is None else h + t
    h = h + d1b_ref[...]

    for l in range(RL):
        tr = jnp.maximum(h, 0.0)
        tp_ref[...] = jnp.zeros((58, 58, NH), F32)
        tp_ref[1:57, 1:57, :] = tr.reshape(HQ, HQ, NH)
        t1 = None
        for di in range(3):
            for dj in range(3):
                sl = tp_ref[di:di + HQ, dj:dj + HQ, :].reshape(NPIX, NH)
                u = _dot(sl, dr1_ref[l, di * 3 + dj])
                t1 = u if t1 is None else t1 + u
        t1 = jnp.maximum(t1 + db1_ref[l], 0.0)
        t2 = _dot(t1, dr2_ref[l]) + db2_ref[l]
        h = h + t2
    h = jnp.maximum(h, 0.0)

    qp_ref[...] = jnp.zeros((58, 58, NH), F32)
    qp_ref[1:57, 1:57, :] = h.reshape(HQ, HQ, NH)
    phT_ref[...] = jnp.zeros((58, 58, 128), F32)
    acc = None
    for orr in range(3):
        for oc in range(3):
            sl = qp_ref[orr:orr + HQ, oc:oc + HQ, :].reshape(NPIX, NH)
            u = _dot(sl, t1_ref[orr * 3 + oc])
            acc = u if acc is None else acc + u
    y = jnp.maximum(acc + t1b_ref[...], 0.0)
    phT_ref[1:57, 1:57, :] = y.reshape(HQ, HQ, 128)

    acc = None
    for orr in range(3):
        for oc in range(3):
            sl = phT_ref[orr:orr + HQ, oc:oc + HQ, :].reshape(NPIX, 128)
            u = _dot(sl, t2_ref[orr * 3 + oc])
            acc = u if acc is None else acc + u
    y = acc + t2b_ref[...]
    xr_ref[0] = y.reshape(HQ, HQ, 48)

    s = jnp.sum(mind_ref[0], axis=1, keepdims=True)
    ii = lax.broadcasted_iota(jnp.int32, (NPIX, K), 1)
    oh = jnp.where(ii == idx_ref[0].reshape(NPIX, 1), 1.0, 0.0)
    part = _dot(jnp.ones((1, NPIX), F32), oh)

    @pl.when(b == 0)
    def _():
        vq_ref[...] = jnp.zeros((1, 1), F32)
        cnt_ref[...] = jnp.zeros((1, K), F32)

    vq_ref[...] = vq_ref[...] + s * ((1.0 + CC) / (NTOK * D))
    cnt_ref[...] = cnt_ref[...] + part

    @pl.when(b == B - 1)
    def _():
        p = cnt_ref[...] / jnp.float32(NTOK)
        ent = jnp.sum(p * jnp.log(p + 1e-10), axis=1, keepdims=True)
        pp_ref[...] = jnp.exp(-ent)


def _sc_gather_hist(cb, idx):
    info = plsc.get_sparse_core_info()
    NC, NS = info.num_cores, info.num_subcores
    NW = NC * NS
    bpw = NTOK // NW
    DP = 2 * D
    mesh = plsc.VectorSubcoreMesh(core_axis_name="c", subcore_axis_name="s")

    @functools.partial(
        pl.kernel, mesh=mesh,
        out_type=jax.ShapeDtypeStruct((NTOK, DP), F32),
        scratch_types=[
            pltpu.VMEM((bpw,), jnp.int32),
            pltpu.VMEM((bpw, DP), F32),
            pltpu.VMEM_SHARED((K, DP), F32),
            pltpu.SemaphoreType.DMA,
        ],
    )
    def k(cb_hbm, idx_hbm, q_hbm, idx_v, rows_v, cbs, sem):
        cid = lax.axis_index("c")
        sid = lax.axis_index("s")
        wid = sid * NC + cid
        base = wid * bpw
        @pl.when(sid == 0)
        def _():
            pltpu.sync_copy(cb_hbm, cbs)

        pltpu.sync_copy(idx_hbm.at[pl.ds(base, bpw)], idx_v)
        plsc.subcore_barrier()
        pltpu.async_copy(cbs.at[idx_v], rows_v, sem).wait()
        pltpu.sync_copy(rows_v, q_hbm.at[pl.ds(base, bpw)])

    return k(cb, idx)


def _enc_call(xim, wts, interpret=False):
    full = lambda a: pl.BlockSpec(a.shape, lambda b: (0,) * a.ndim)
    return pl.pallas_call(
        _enc_body,
        grid=(B,),
        in_specs=[pl.BlockSpec((1, HQ, HQ, 192), lambda b: (b, 0, 0, 0))]
                 + [full(w) for w in wts],
        out_specs=[pl.BlockSpec((1, 1, NPIX), lambda b: (b, 0, 0)),
                   pl.BlockSpec((1, 1, NPIX), lambda b: (b, 0, 0))],
        out_shape=[jax.ShapeDtypeStruct((B, 1, NPIX), jnp.int32),
                   jax.ShapeDtypeStruct((B, 1, NPIX), F32)],
        scratch_shapes=[pltpu.VMEM((58, 58, 128), F32),
                        pltpu.VMEM((58, 58, NH), F32),
                        pltpu.VMEM((58, 58, NH), F32)],
        interpret=interpret,
    )(xim, *wts)


def _dec_call(q8, mind, idx8, wts, interpret=False):
    full = lambda a: pl.BlockSpec(a.shape, lambda b: (0,) * a.ndim)
    return pl.pallas_call(
        _dec_body,
        grid=(B,),
        in_specs=[pl.BlockSpec((1, NPIX, 2 * D), lambda b: (b, 0, 0)),
                  pl.BlockSpec((1, 1, NPIX), lambda b: (b, 0, 0)),
                  pl.BlockSpec((1, 1, NPIX), lambda b: (b, 0, 0))]
                 + [full(w) for w in wts],
        out_specs=[pl.BlockSpec((1, HQ, HQ, 48), lambda b: (b, 0, 0, 0)),
                   pl.BlockSpec((1, 1), lambda b: (0, 0)),
                   pl.BlockSpec((1, 1), lambda b: (0, 0))],
        out_shape=[jax.ShapeDtypeStruct((B, HQ, HQ, 48), F32),
                   jax.ShapeDtypeStruct((1, 1), F32),
                   jax.ShapeDtypeStruct((1, 1), F32)],
        scratch_shapes=[pltpu.VMEM((58, 58, NH), F32),
                        pltpu.VMEM((58, 58, NH), F32),
                        pltpu.VMEM((58, 58, 128), F32),
                        pltpu.VMEM((1, K), F32)],
        interpret=interpret,
    )(q8, mind, idx8, *wts)


def _prep_xim(x):
    xh = jnp.transpose(x, (0, 2, 3, 1))
    xpad = jnp.pad(xh, ((0, 0), (1, 1), (1, 1), (0, 0)))
    blocks = []
    for a2 in range(2):
        for c2 in range(2):
            taps = []
            for kh in range(4):
                for kw in range(4):
                    r0 = 2 * a2 + kh
                    c0 = 2 * c2 + kw
                    sl = lax.slice(xpad, (0, r0, c0, 0),
                                   (B, r0 + 4 * (HQ - 1) + 1,
                                    c0 + 4 * (HQ - 1) + 1, IC),
                                   (1, 4, 4, 1))
                    taps.append(sl)
            blocks.append(jnp.concatenate(taps, axis=-1))
    return jnp.concatenate(blocks, axis=-1)


def _enc_wts(p):
    w1 = jnp.transpose(p['e1w'], (2, 3, 1, 0)).reshape(48, NH // 2)
    w1big = jnp.stack([w1] * 4)
    b1big = p['e1b'].reshape(1, NH // 2)

    w2big = jnp.zeros((9, 128, NH), F32)
    for kh in range(4):
        pr, orr = _PHR[kh]
        for kw in range(4):
            pc, oc = _PHR[kw]
            blk = (pr * 2 + pc) * 32
            w2big = w2big.at[orr * 3 + oc, blk:blk + 32, :].set(
                p['e2w'][:, :, kh, kw].T)

    er1 = jnp.stack([jnp.transpose(p[f'er{l}w1'], (2, 3, 1, 0))
                     .reshape(9, NH, RH) for l in range(RL)])
    eb1 = jnp.stack([p[f'er{l}b1'].reshape(1, RH) for l in range(RL)])
    er2 = jnp.stack([p[f'er{l}w2'][:, :, 0, 0].T for l in range(RL)])
    eb2 = jnp.stack([p[f'er{l}b2'].reshape(1, NH) for l in range(RL)])
    return [
        w1big, b1big, w2big, p['e2b'].reshape(1, NH),
        jnp.transpose(p['e3w'], (2, 3, 1, 0)).reshape(9, NH, NH),
        p['e3b'].reshape(1, NH),
        er1, eb1, er2, eb2,
        p['pvw'][:, :, 0, 0].T,
        p['pvb'].reshape(1, D),
        p['cb'].T,
        jnp.sum(p['cb'] ** 2, axis=1).reshape(1, K),
    ]


def _t2_maps():
    m = {}
    for t in range(4):
        for kh, psrc, off in _TAPS2[t]:
            m.setdefault((psrc, off), []).append((t, kh))
    return m


def _dec_wts(p):
    dr1 = jnp.stack([jnp.transpose(p[f'dr{l}w1'], (2, 3, 1, 0))
                     .reshape(9, NH, RH) for l in range(RL)])
    db1 = jnp.stack([p[f'dr{l}b1'].reshape(1, RH) for l in range(RL)])
    dr2 = jnp.stack([p[f'dr{l}w2'][:, :, 0, 0].T for l in range(RL)])
    db2 = jnp.stack([p[f'dr{l}b2'].reshape(1, NH) for l in range(RL)])

    rm1 = {}
    for r in range(2):
        for kh, off in _TAPS1[r]:
            rm1.setdefault(off, []).append((r, kh))
    t1big = jnp.zeros((9, NH, 128), F32)
    for orr in range(3):
        for oc in range(3):
            for r, kh in rm1[orr]:
                for s, kw in rm1[oc]:
                    blk = (r * 2 + s) * 32
                    t1big = t1big.at[orr * 3 + oc, :, blk:blk + 32].set(
                        jnp.transpose(p['dt1w'][:, :, kh, kw], (1, 0)))
    t1b = jnp.tile(p['dt1b'], 4).reshape(1, 128)

    m2 = _t2_maps()
    t2big = jnp.zeros((9, 128, 48), F32)
    for orr in range(3):
        for oc in range(3):
            for pr in range(2):
                if (pr, orr) not in m2:
                    continue
                for pc in range(2):
                    if (pc, oc) not in m2:
                        continue
                    row = (pr * 2 + pc) * 32
                    for tr, kh in m2[(pr, orr)]:
                        for tc, kw in m2[(pc, oc)]:
                            col = tr * 12 + tc * 3
                            t2big = t2big.at[
                                orr * 3 + oc, row:row + 32, col:col + 3].set(
                                jnp.transpose(p['dt2w'][:, :, kh, kw], (1, 0)))
    t2b = jnp.tile(p['dt2b'], 16).reshape(1, 48)

    return [
        jnp.transpose(p['d1w'], (2, 3, 1, 0)).reshape(9, D, NH),
        p['d1b'].reshape(1, NH),
        dr1, db1, dr2, db2,
        t1big, t1b, t2big, t2b,
    ]


def kernel(x, params):
    p = params
    xim = _prep_xim(x)
    idx8, mind = _enc_call(xim, _enc_wts(p))
    idx_flat = idx8.reshape(NTOK)
    cb128 = jnp.pad(p['cb'], ((0, 0), (0, D)))
    q = _sc_gather_hist(cb128, idx_flat)
    q8 = q.reshape(B, NPIX, 2 * D)
    xr, vq, pp = _dec_call(q8, mind, idx8, _dec_wts(p))
    xr6 = xr.reshape(B, HQ, HQ, 4, 4, IC)
    x_recon = jnp.transpose(xr6, (0, 5, 1, 3, 2, 4)).reshape(B, IC, HW, HW)
    return x_recon, vq[0, 0], pp[0, 0], idx_flat

# --- scband reference (transcript-rebuilt; emitter-appended) ---
"""Pipeline reference for scband-vision-model-31044023615602 (READ-ONLY COPY).

The authoritative reference and input builder live on the scoring server;
editing this copy changes nothing except your own understanding.
"""

import jax, jax.numpy as jnp
import numpy as np

NH = 64     # num_hidden
RL = 2      # res_layer
RH = 32     # res_hidden
IC = 3      # input_channels
K = 1024    # num_embedding
D = 64      # embedding_dim
CC = 0.25   # commitment_cost
B = 8
HW = 224


def setup_inputs(seed: int = 0) -> dict:
    key = jax.random.key(seed)
    c = [0]
    def nx(shape):
        c[0] += 1
        return jax.random.normal(jax.random.fold_in(key, c[0]), shape, dtype=jnp.float32) * 0.05
    x = jax.random.normal(jax.random.fold_in(key, 0), (B, IC, HW, HW), dtype=jnp.float32)
    p = {}
    # encoder
    p['e1w'] = nx((NH // 2, IC, 4, 4)); p['e1b'] = nx((NH // 2,))
    p['e2w'] = nx((NH, NH // 2, 4, 4)); p['e2b'] = nx((NH,))
    p['e3w'] = nx((NH, NH, 3, 3)); p['e3b'] = nx((NH,))
    for l in range(RL):
        p[f'er{l}w1'] = nx((RH, NH, 3, 3)); p[f'er{l}b1'] = nx((RH,))
        p[f'er{l}w2'] = nx((NH, RH, 1, 1)); p[f'er{l}b2'] = nx((NH,))
    # pre-VQ projection and codebook
    p['pvw'] = nx((D, NH, 1, 1)); p['pvb'] = nx((D,))
    p['cb'] = nx((K, D))
    # decoder
    p['d1w'] = nx((NH, D, 3, 3)); p['d1b'] = nx((NH,))
    for l in range(RL):
        p[f'dr{l}w1'] = nx((RH, NH, 3, 3)); p[f'dr{l}b1'] = nx((RH,))
        p[f'dr{l}w2'] = nx((NH, RH, 1, 1)); p[f'dr{l}b2'] = nx((NH,))
    p['dt1w'] = nx((NH // 2, NH, 4, 4)); p['dt1b'] = nx((NH // 2,))
    p['dt2w'] = nx((IC, NH // 2, 4, 4)); p['dt2b'] = nx((IC,))
    return {'x': x, 'params': p}


def _conv(x, w, b, s, pad):
    y = jax.lax.conv_general_dilated(x, w, (s, s), [(pad, pad), (pad, pad)],
                                     dimension_numbers=('NCHW', 'OIHW', 'NCHW'))
    return y + b[None, :, None, None]


def _convT(x, w, b):
    y = jax.lax.conv_transpose(x, w, (2, 2), 'SAME',
                               dimension_numbers=('NCHW', 'OIHW', 'NCHW'))
    return y + b[None, :, None, None]


def _res_stack(h, p, pre):
    for l in range(RL):
        t = jax.nn.relu(h)
        t = _conv(t, p[f'{pre}{l}w1'], p[f'{pre}{l}b1'], 1, 1)
        t = jax.nn.relu(t)
        t = _conv(t, p[f'{pre}{l}w2'], p[f'{pre}{l}b2'], 1, 0)
        h = h + t
    return jax.nn.relu(h)


def _vq(z, cb):
    Bz, Dz, Hz, Wz = z.shape
    flat = jnp.transpose(z, (0, 2, 3, 1)).reshape(-1, Dz)
    dist = (jnp.sum(flat ** 2, axis=1, keepdims=True)
            - 2.0 * flat @ cb.T
            + jnp.sum(cb ** 2, axis=1)[None, :])
    idx = jnp.argmin(dist, axis=1)
    qf = jnp.take(cb, idx, axis=0)
    q = jnp.transpose(qf.reshape(Bz, Hz, Wz, Dz), (0, 3, 1, 2))
    e_latent = jnp.mean((jax.lax.stop_gradient(q) - z) ** 2)
    q_latent = jnp.mean((q - jax.lax.stop_gradient(z)) ** 2)
    vq_loss = q_latent + CC * e_latent
    q_st = z + jax.lax.stop_gradient(q - z)
    counts = jnp.bincount(idx, length=K)
    probs = counts.astype(jnp.float32) / idx.shape[0]
    perplexity = jnp.exp(-jnp.sum(probs * jnp.log(probs + 1e-10)))
    return q_st, vq_loss, perplexity, idx


def _forward(x, p):
    h = jax.nn.relu(_conv(x, p['e1w'], p['e1b'], 2, 1))
    h = jax.nn.relu(_conv(h, p['e2w'], p['e2b'], 2, 1))
    h = _conv(h, p['e3w'], p['e3b'], 1, 1)
    h = _res_stack(h, p, 'er')
    z = _conv(h, p['pvw'], p['pvb'], 1, 0)
    q, vq_loss, perplexity, idx = _vq(z, p['cb'])
    h = _conv(q, p['d1w'], p['d1b'], 1, 1)
    h = _res_stack(h, p, 'dr')
    h = jax.nn.relu(_convT(h, p['dt1w'], p['dt1b']))
    x_recon = _convT(h, p['dt2w'], p['dt2b'])
    return x_recon, vq_loss, perplexity, idx


def reference(x, params):
    x_recon, vq_loss, perplexity, encoding_indices = _forward(x, params)
    return x_recon, vq_loss, perplexity, encoding_indices

if __name__ == "__main__":
    import jax
    _d = setup_inputs()
    print(jax.jit(kernel)(*tuple(_d.values())))

</pallas_src>

<mosaic_0001>
#map = affine_map<(d0, d1) -> (0, 0)>
#map1 = affine_map<(d0, d1) -> (0)>
module attributes {stable_mosaic.version = 14 : i64} {
  func.func @k(%arg0: i32, %arg1: i32, %arg2: memref<1024x128xf32, #tpu.memory_space<hbm>>, %arg3: memref<25088xi32, #tpu.memory_space<hbm>>, %arg4: memref<25088x128xf32, #tpu.memory_space<hbm>>, %arg5: memref<784xi32, #tpu.memory_space<vmem>>, %arg6: memref<784x128xf32, #tpu.memory_space<vmem>>, %arg7: memref<1024x128xf32, #tpu.memory_space<vmem_shared>>, %arg8: memref<!tpu.dma_semaphore, #tpu.memory_space<semaphore_mem>>) attributes {dimension_semantics = [#tpu.dimension_semantics<core_parallel>, #tpu.dimension_semantics<subcore_parallel>], iteration_bounds = array<i64: 2, 16>, scalar_prefetch = 0 : i64, scratch_operands = 4 : i64, tpu.core_type = #tpu.core_type<sc_vector_subcore>, window_params = [{transform_indices = #map}, {transform_indices = #map1}, {transform_indices = #map}]} {
    %mul3A = arith.constant 2 : i32
    %mul3A_0 = arith.muli %arg1, %mul3A : i32
    %add3A = arith.addi %mul3A_0, %arg0 : i32
    %mul3A_1 = arith.constant 784 : i32
    %mul3A_2 = arith.muli %add3A, %mul3A_1 : i32
    %eq3A = arith.constant 0 : i32
    %eq3A_3 = arith.cmpi eq, %arg1, %eq3A : i32
    %convert_element_type3A = arith.extui %eq3A_3 : i1 to i32
    %cond3A = arith.constant 0 : i32
    %cond3A_4 = arith.cmpi ne, %convert_element_type3A, %cond3A : i32
    scf.if %cond3A_4 {
      "tpu.region"() ({
        %run_scoped3A = tpu.sem_alloc : memref<!tpu.dma_semaphore, #tpu.memory_space<semaphore_mem>>
        tpu.enqueue_dma source(%arg2 : memref<1024x128xf32, #tpu.memory_space<hbm>>) target(%arg7 : memref<1024x128xf32, #tpu.memory_space<vmem_shared>>) target_semaphore(%run_scoped3A : memref<!tpu.dma_semaphore, #tpu.memory_space<semaphore_mem>>)
        tpu.wait_dma2 semaphore(%run_scoped3A : memref<!tpu.dma_semaphore, #tpu.memory_space<semaphore_mem>>) src(%arg2 : memref<1024x128xf32, #tpu.memory_space<hbm>>) dst(%arg7 : memref<1024x128xf32, #tpu.memory_space<vmem_shared>>)
        tpu.yield
      }) : () -> ()
    } else {
    }
    "tpu.region"() ({
      %run_scoped3A = tpu.sem_alloc : memref<!tpu.dma_semaphore, #tpu.memory_space<semaphore_mem>>
      %dma_start3A_9 = tpu.memref_slice %arg3[%mul3A_2] : memref<25088xi32, #tpu.memory_space<hbm>> -> memref<784xi32, #tpu.memory_space<hbm>>
      %dma_start3A_10 = tpu.memref_slice %arg3[%mul3A_2] : memref<25088xi32, #tpu.memory_space<hbm>> -> memref<784xi32, #tpu.memory_space<hbm>>
      tpu.enqueue_dma source(%dma_start3A_10 : memref<784xi32, #tpu.memory_space<hbm>>) target(%arg5 : memref<784xi32, #tpu.memory_space<vmem>>) target_semaphore(%run_scoped3A : memref<!tpu.dma_semaphore, #tpu.memory_space<semaphore_mem>>)
      %dma_wait3A_11 = tpu.memref_slice %arg3[%mul3A_2] : memref<25088xi32, #tpu.memory_space<hbm>> -> memref<784xi32, #tpu.memory_space<hbm>>
      %dma_wait3A_12 = tpu.memref_slice %arg3[%mul3A_2] : memref<25088xi32, #tpu.memory_space<hbm>> -> memref<784xi32, #tpu.memory_space<hbm>>
      tpu.wait_dma2 semaphore(%run_scoped3A : memref<!tpu.dma_semaphore, #tpu.memory_space<semaphore_mem>>) src(%dma_wait3A_12 : memref<784xi32, #tpu.memory_space<hbm>>) dst(%arg5 : memref<784xi32, #tpu.memory_space<vmem>>)
      tpu.yield
    }) : () -> ()
    %barrier3A = arith.constant 0 : index
    tpu.barrier barrier_id(%barrier3A)
    %dma_start3A = arith.constant 0 : i32
    %dma_start3A_5 = arith.constant 0 : i32
    %dma_start3A_6 = tpu.memref_slice %arg7[%dma_start3A, %dma_start3A_5] : memref<1024x128xf32, #tpu.memory_space<vmem_shared>> -> memref<1024x128xf32, #tpu.memory_space<vmem_shared>>
    tpu.enqueue_indirect_dma source(%dma_start3A_6 : memref<1024x128xf32, #tpu.memory_space<vmem_shared>>) target(%arg6 : memref<784x128xf32, #tpu.memory_space<vmem>>) offsets(%arg5 : memref<784xi32, #tpu.memory_space<vmem>>) semaphore(%arg8 : memref<!tpu.dma_semaphore, #tpu.memory_space<semaphore_mem>>)
    %dma_wait3A = arith.constant 0 : i32
    %dma_wait3A_7 = arith.constant 0 : i32
    %dma_wait3A_8 = tpu.memref_slice %arg7[%dma_wait3A, %dma_wait3A_7] : memref<1024x128xf32, #tpu.memory_space<vmem_shared>> -> memref<1024x128xf32, #tpu.memory_space<vmem_shared>>
    tpu.wait_indirect_dma semaphore(%arg8 : memref<!tpu.dma_semaphore, #tpu.memory_space<semaphore_mem>>) src(%dma_wait3A_8 : memref<1024x128xf32, #tpu.memory_space<vmem_shared>>) dst(%arg6 : memref<784x128xf32, #tpu.memory_space<vmem>>)
    "tpu.region"() ({
      %run_scoped3A = tpu.sem_alloc : memref<!tpu.dma_semaphore, #tpu.memory_space<semaphore_mem>>
      %dma_start3A_9 = arith.constant 0 : i32
      %dma_start3A_10 = tpu.memref_slice %arg4[%mul3A_2, %dma_start3A_9] : memref<25088x128xf32, #tpu.memory_space<hbm>> -> memref<784x128xf32, #tpu.memory_space<hbm>>
      %dma_start3A_11 = arith.constant 0 : i32
      %dma_start3A_12 = tpu.memref_slice %arg4[%mul3A_2, %dma_start3A_11] : memref<25088x128xf32, #tpu.memory_space<hbm>> -> memref<784x128xf32, #tpu.memory_space<hbm>>
      tpu.enqueue_dma source(%arg6 : memref<784x128xf32, #tpu.memory_space<vmem>>) target(%dma_start3A_12 : memref<784x128xf32, #tpu.memory_space<hbm>>) target_semaphore(%run_scoped3A : memref<!tpu.dma_semaphore, #tpu.memory_space<semaphore_mem>>)
      %dma_wait3A_13 = arith.constant 0 : i32
      %dma_wait3A_14 = tpu.memref_slice %arg4[%mul3A_2, %dma_wait3A_13] : memref<25088x128xf32, #tpu.memory_space<hbm>> -> memref<784x128xf32, #tpu.memory_space<hbm>>
      %dma_wait3A_15 = arith.constant 0 : i32
      %dma_wait3A_16 = tpu.memref_slice %arg4[%mul3A_2, %dma_wait3A_15] : memref<25088x128xf32, #tpu.memory_space<hbm>> -> memref<784x128xf32, #tpu.memory_space<hbm>>
      tpu.wait_dma2 semaphore(%run_scoped3A : memref<!tpu.dma_semaphore, #tpu.memory_space<semaphore_mem>>) src(%arg6 : memref<784x128xf32, #tpu.memory_space<vmem>>) dst(%dma_wait3A_16 : memref<784x128xf32, #tpu.memory_space<hbm>>)
      tpu.yield
    }) : () -> ()
    return
  }
}

module attributes {stable_mosaic.version = 14 : i64} {
  func.func @_enc_body(%arg0: i32, %arg1: memref<1x56x56x192xf32, #tpu.memory_space<vmem>>, %arg2: memref<4x48x32xf32, #tpu.memory_space<vmem>>, %arg3: memref<1x32xf32, #tpu.memory_space<vmem>>, %arg4: memref<9x128x64xf32, #tpu.memory_space<vmem>>, %arg5: memref<1x64xf32, #tpu.memory_space<vmem>>, %arg6: memref<9x64x64xf32, #tpu.memory_space<vmem>>, %arg7: memref<1x64xf32, #tpu.memory_space<vmem>>, %arg8: memref<2x9x64x32xf32, #tpu.memory_space<vmem>>, %arg9: memref<2x1x32xf32, #tpu.memory_space<vmem>>, %arg10: memref<2x32x64xf32, #tpu.memory_space<vmem>>, %arg11: memref<2x1x64xf32, #tpu.memory_space<vmem>>, %arg12: memref<64x64xf32, #tpu.memory_space<vmem>>, %arg13: memref<1x64xf32, #tpu.memory_space<vmem>>, %arg14: memref<64x1024xf32, #tpu.memory_space<vmem>>, %arg15: memref<1x1024xf32, #tpu.memory_space<vmem>>, %arg16: memref<1x1x3136xi32, #tpu.memory_space<vmem>>, %arg17: memref<1x1x3136xf32, #tpu.memory_space<vmem>>, %arg18: memref<58x58x128xf32, #tpu.memory_space<vmem>>, %arg19: memref<58x58x64xf32, #tpu.memory_space<vmem>>, %arg20: memref<58x58x64xf32, #tpu.memory_space<vmem>>) attributes {dimension_semantics = [#tpu.dimension_semantics<arbitrary>], iteration_bounds = array<i64: 8>, scalar_prefetch = 0 : i64, scratch_operands = 3 : i64, tpu.core_type = #tpu.core_type<tc>, window_params = [{transform_indices = @transform_0, window_bounds = array<i64: 1, 56, 56, 192>}, {pipeline_mode = #tpu.pipeline_mode<synchronous>, transform_indices = @transform_1, window_bounds = array<i64: 4, 48, 32>}, {pipeline_mode = #tpu.pipeline_mode<synchronous>, transform_indices = @transform_2, window_bounds = array<i64: 1, 32>}, {pipeline_mode = #tpu.pipeline_mode<synchronous>, transform_indices = @transform_3, window_bounds = array<i64: 9, 128, 64>}, {pipeline_mode = #tpu.pipeline_mode<synchronous>, transform_indices = @transform_4, window_bounds = array<i64: 1, 64>}, {pipeline_mode = #tpu.pipeline_mode<synchronous>, transform_indices = @transform_5, window_bounds = array<i64: 9, 64, 64>}, {pipeline_mode = #tpu.pipeline_mode<synchronous>, transform_indices = @transform_6, window_bounds = array<i64: 1, 64>}, {pipeline_mode = #tpu.pipeline_mode<synchronous>, transform_indices = @transform_7, window_bounds = array<i64: 2, 9, 64, 32>}, {pipeline_mode = #tpu.pipeline_mode<synchronous>, transform_indices = @transform_8, window_bounds = array<i64: 2, 1, 32>}, {pipeline_mode = #tpu.pipeline_mode<synchronous>, transform_indices = @transform_9, window_bounds = array<i64: 2, 32, 64>}, {pipeline_mode = #tpu.pipeline_mode<synchronous>, transform_indices = @transform_10, window_bounds = array<i64: 2, 1, 64>}, {pipeline_mode = #tpu.pipeline_mode<synchronous>, transform_indices = @transform_11, window_bounds = array<i64: 64, 64>}, {pipeline_mode = #tpu.pipeline_mode<synchronous>, transform_indices = @transform_12, window_bounds = array<i64: 1, 64>}, {pipeline_mode = #tpu.pipeline_mode<synchronous>, transform_indices = @transform_13, window_bounds = array<i64: 64, 1024>}, {pipeline_mode = #tpu.pipeline_mode<synchronous>, transform_indices = @transform_14, window_bounds = array<i64: 1, 1024>}, {transform_indices = @transform_15, window_bounds = array<i64: 1, 1, 3136>}, {transform_indices = @transform_16, window_bounds = array<i64: 1, 1, 3136>}]} {
    %broadcast_in_dim3A = arith.constant 0.000000e+00 : f32
    %broadcast_in_dim3A_0 = vector.broadcast %broadcast_in_dim3A : f32 to vector<58x58x128xf32>
    %swap3A = arith.constant 0 : index
    %swap3A_1 = arith.constant 0 : index
    %swap3A_2 = arith.constant 0 : index
    %swap3A_3 = vector.load %arg18[%swap3A, %swap3A_1, %swap3A_2] : memref<58x58x128xf32, #tpu.memory_space<vmem>>, vector<58x58x128xf32>
    tpu.vector_store %arg18[%swap3A, %swap3A_1, %swap3A_2], %broadcast_in_dim3A_0 {strides = array<i32>} : memref<58x58x128xf32, #tpu.memory_space<vmem>>, vector<58x58x128xf32>,
    %get3A = arith.constant 0 : index
    %get3A_4 = arith.constant 0 : index
    %get3A_5 = arith.constant 0 : index
    %get3A_6 = arith.constant 0 : index
    %get3A_7 = vector.load %arg1[%get3A, %get3A_4, %get3A_5, %get3A_6] : memref<1x56x56x192xf32, #tpu.memory_space<vmem>>, vector<1x56x56x48xf32>
    %get3A_8 = vector.shape_cast %get3A_7 : vector<1x56x56x48xf32> to vector<56x56x48xf32>
    %reshape3A = vector.shape_cast %get3A_8 : vector<56x56x48xf32> to vector<3136x48xf32>
    %get3A_9 = arith.constant 0 : index
    %get3A_10 = arith.constant 0 : index
    %get3A_11 = arith.constant 0 : index
    %get3A_12 = vector.load %arg2[%get3A_9, %get3A_10, %get3A_11] : memref<4x48x32xf32, #tpu.memory_space<vmem>>, vector<1x48x32xf32>
    %get3A_13 = vector.shape_cast %get3A_12 : vector<1x48x32xf32> to vector<48x32xf32>
    %dot_general3A = arith.constant dense<0.000000e+00> : vector<3136x32xf32>
    %dot_general3A_14 = tpu.matmul %reshape3A, %get3A_13, %dot_general3A {dimension_numbers = #tpu.dot_dimension_numbers<[1], [0], [0], [1], [0, 0, 1, 1], [], []>, transpose_lhs_hint = false} : vector<3136x48xf32>, vector<48x32xf32>, vector<3136x32xf32> -> vector<3136x32xf32>
    %get3A_15 = arith.constant 0 : index
    %get3A_16 = arith.constant 0 : index
    %get3A_17 = vector.load %arg3[%get3A_15, %get3A_16] : memref<1x32xf32, #tpu.memory_space<vmem>>, vector<1x32xf32>
    %add3A = vector.broadcast %get3A_17 : vector<1x32xf32> to vector<3136x32xf32>
    %add3A_18 = arith.addf %dot_general3A_14, %add3A : vector<3136x32xf32>
    %max3A = arith.constant 0.000000e+00 : f32
    %max3A_19 = vector.broadcast %max3A : f32 to vector<3136x32xf32>
    %max3A_20 = arith.maximumf %add3A_18, %max3A_19 : vector<3136x32xf32>
    %get3A_21 = arith.constant 0 : index
    %get3A_22 = arith.constant 0 : index
    %get3A_23 = arith.constant 0 : index
    %get3A_24 = arith.constant 48 : index
    %get3A_25 = vector.load %arg1[%get3A_21, %get3A_22, %get3A_23, %get3A_24] : memref<1x56x56x192xf32, #tpu.memory_space<vmem>>, vector<1x56x56x48xf32>
    %get3A_26 = vector.shape_cast %get3A_25 : vector<1x56x56x48xf32> to vector<56x56x48xf32>
    %reshape3A_27 = vector.shape_cast %get3A_26 : vector<56x56x48xf32> to vector<3136x48xf32>
    %get3A_28 = arith.constant 1 : index
    %get3A_29 = arith.constant 0 : index
    %get3A_30 = arith.constant 0 : index
    %get3A_31 = vector.load %arg2[%get3A_28, %get3A_29, %get3A_30] : memref<4x48x32xf32, #tpu.memory_space<vmem>>, vector<1x48x32xf32>
    %get3A_32 = vector.shape_cast %get3A_31 : vector<1x48x32xf32> to vector<48x32xf32>
    %dot_general3A_33 = arith.constant dense<0.000000e+00> : vector<3136x32xf32>
    %dot_general3A_34 = tpu.matmul %reshape3A_27, %get3A_32, %dot_general3A_33 {dimension_numbers = #tpu.dot_dimension_numbers<[1], [0], [0], [1], [0, 0, 1, 1], [], []>, transpose_lhs_hint = false} : vector<3136x48xf32>, vector<48x32xf32>, vector<3136x32xf32> -> vector<3136x32xf32>
    %get3A_35 = arith.constant 0 : index
    %get3A_36 = arith.constant 0 : index
    %get3A_37 = vector.load %arg3[%get3A_35, %get3A_36] : memref<1x32xf32, #tpu.memory_space<vmem>>, vector<1x32xf32>
    %add3A_38 = vector.broadcast %get3A_37 : vector<1x32xf32> to vector<3136x32xf32>
    %add3A_39 = arith.addf %dot_general3A_34, %add3A_38 : vector<3136x32xf32>
    %max3A_40 = arith.constant 0.000000e+00 : f32
    %max3A_41 = vector.broadcast %max3A_40 : f32 to vector<3136x32xf32>
    %max3A_42 = arith.maximumf %add3A_39, %max3A_41 : vector<3136x32xf32>
    %get3A_43 = arith.constant 0 : index
    %get3A_44 = arith.constant 0 : index
    %get3A_45 = arith.constant 0 : index
    %get3A_46 = arith.constant 96 : index
    %get3A_47 = vector.load %arg1[%get3A_43, %get3A_44, %get3A_45, %get3A_46] : memref<1x56x56x192xf32, #tpu.memory_space<vmem>>, vector<1x56x56x48xf32>
    %get3A_48 = vector.shape_cast %get3A_47 : vector<1x56x56x48xf32> to vector<56x56x48xf32>
    %reshape3A_49 = vector.shape_cast %get3A_48 : vector<56x56x48xf32> to vector<3136x48xf32>
    %get3A_50 = arith.constant 2 : index
    %get3A_51 = arith.constant 0 : index
    %get3A_52 = arith.constant 0 : index
    %get3A_53 = vector.load %arg2[%get3A_50, %get3A_51, %get3A_52] : memref<4x48x32xf32, #tpu.memory_space<vmem>>, vector<1x48x32xf32>
    %get3A_54 = vector.shape_cast %get3A_53 : vector<1x48x32xf32> to vector<48x32xf32>
    %dot_general3A_55 = arith.constant dense<0.000000e+00> : vector<3136x32xf32>
    %dot_general3A_56 = tpu.matmul %reshape3A_49, %get3A_54, %dot_general3A_55 {dimension_numbers = #tpu.dot_dimension_numbers<[1], [0], [0], [1], [0, 0, 1, 1], [], []>, transpose_lhs_hint = false} : vector<3136x48xf32>, vector<48x32xf32>, vector<3136x32xf32> -> vector<3136x32xf32>
    %get3A_57 = arith.constant 0 : index
    %get3A_58 = arith.constant 0 : index
    %get3A_59 = vector.load %arg3[%get3A_57, %get3A_58] : memref<1x32xf32, #tpu.memory_space<vmem>>, vector<1x32xf32>
    %add3A_60 = vector.broadcast %get3A_59 : vector<1x32xf32> to vector<3136x32xf32>
    %add3A_61 = arith.addf %dot_general3A_56, %add3A_60 : vector<3136x32xf32>
    %max3A_62 = arith.constant 0.000000e+00 : f32
    %max3A_63 = vector.broadcast %max3A_62 : f32 to vector<3136x32xf32>
    %max3A_64 = arith.maximumf %add3A_61, %max3A_63 : vector<3136x32xf32>
    %get3A_65 = arith.constant 0 : index
    %get3A_66 = arith.constant 0 : index
    %get3A_67 = arith.constant 0 : index
    %get3A_68 = arith.constant 144 : index
    %get3A_69 = vector.load %arg1[%get3A_65, %get3A_66, %get3A_67, %get3A_68] : memref<1x56x56x192xf32, #tpu.memory_space<vmem>>, vector<1x56x56x48xf32>
    %get3A_70 = vector.shape_cast %get3A_69 : vector<1x56x56x48xf32> to vector<56x56x48xf32>
    %reshape3A_71 = vector.shape_cast %get3A_70 : vector<56x56x48xf32> to vector<3136x48xf32>
    %get3A_72 = arith.constant 3 : index
    %get3A_73 = arith.constant 0 : index
    %get3A_74 = arith.constant 0 : index
    %get3A_75 = vector.load %arg2[%get3A_72, %get3A_73, %get3A_74] : memref<4x48x32xf32, #tpu.memory_space<vmem>>, vector<1x48x32xf32>
    %get3A_76 = vector.shape_cast %get3A_75 : vector<1x48x32xf32> to vector<48x32xf32>
    %dot_general3A_77 = arith.constant dense<0.000000e+00> : vector<3136x32xf32>
    %dot_general3A_78 = tpu.matmul %reshape3A_71, %get3A_76, %dot_general3A_77 {dimension_numbers = #tpu.dot_dimension_numbers<[1], [0], [0], [1], [0, 0, 1, 1], [], []>, transpose_lhs_hint = false} : vector<3136x48xf32>, vector<48x32xf32>, vector<3136x32xf32> -> vector<3136x32xf32>
    %get3A_79 = arith.constant 0 : index
    %get3A_80 = arith.constant 0 : index
    %get3A_81 = vector.load %arg3[%get3A_79, %get3A_80] : memref<1x32xf32, #tpu.memory_space<vmem>>, vector<1x32xf32>
    %add3A_82 = vector.broadcast %get3A_81 : vector<1x32xf32> to vector<3136x32xf32>
    %add3A_83 = arith.addf %dot_general3A_78, %add3A_82 : vector<3136x32xf32>
    %max3A_84 = arith.constant 0.000000e+00 : f32
    %max3A_85 = vector.broadcast %max3A_84 : f32 to vector<3136x32xf32>
    %max3A_86 = arith.maximumf %add3A_83, %max3A_85 : vector<3136x32xf32>
    %concatenate3A = tpu.concatenate %max3A_20, %max3A_42, %max3A_64, %max3A_86 in 1 : vector<3136x32xf32>, vector<3136x32xf32>, vector<3136x32xf32>, vector<3136x32xf32> -> vector<3136x128xf32>
    %reshape3A_87 = vector.shape_cast %concatenate3A : vector<3136x128xf32> to vector<56x56x128xf32>
    %swap3A_88 = arith.constant 1 : index
    %swap3A_89 = arith.constant 1 : index
    %swap3A_90 = arith.constant 0 : index
    %swap3A_91 = vector.load %arg18[%swap3A_88, %swap3A_89, %swap3A_90] : memref<58x58x128xf32, #tpu.memory_space<vmem>>, vector<56x56x128xf32>
    tpu.vector_store %arg18[%swap3A_88, %swap3A_89, %swap3A_90], %reshape3A_87 {strides = array<i32>} : memref<58x58x128xf32, #tpu.memory_space<vmem>>, vector<56x56x128xf32>,
    %get3A_92 = arith.constant 0 : index
    %get3A_93 = arith.constant 0 : index
    %get3A_94 = arith.constant 0 : index
    %get3A_95 = vector.load %arg18[%get3A_92, %get3A_93, %get3A_94] : memref<58x58x128xf32, #tpu.memory_space<vmem>>, vector<56x56x128xf32>
    %reshape3A_96 = vector.shape_cast %get3A_95 : vector<56x56x128xf32> to vector<3136x128xf32>
    %get3A_97 = arith.constant 0 : index
    %get3A_98 = arith.constant 0 : index
    %get3A_99 = arith.constant 0 : index
    %get3A_100 = vector.load %arg4[%get3A_97, %get3A_98, %get3A_99] : memref<9x128x64xf32, #tpu.memory_space<vmem>>, vector<1x128x64xf32>
    %get3A_101 = vector.shape_cast %get3A_100 : vector<1x128x64xf32> to vector<128x64xf32>
    %dot_general3A_102 = arith.constant dense<0.000000e+00> : vector<3136x64xf32>
    %dot_general3A_103 = tpu.matmul %reshape3A_96, %get3A_101, %dot_general3A_102 {dimension_numbers = #tpu.dot_dimension_numbers<[1], [0], [0], [1], [0, 0, 1, 1], [], []>, transpose_lhs_hint = false} : vector<3136x128xf32>, vector<128x64xf32>, vector<3136x64xf32> -> vector<3136x64xf32>
    %get3A_104 = arith.constant 0 : index
    %get3A_105 = arith.constant 1 : index
    %get3A_106 = arith.constant 0 : index
    %get3A_107 = vector.load %arg18[%get3A_104, %get3A_105, %get3A_106] : memref<58x58x128xf32, #tpu.memory_space<vmem>>, vector<56x56x128xf32>
    %reshape3A_108 = vector.shape_cast %get3A_107 : vector<56x56x128xf32> to vector<3136x128xf32>
    %get3A_109 = arith.constant 1 : index
    %get3A_110 = arith.constant 0 : index
    %get3A_111 = arith.constant 0 : index
    %get3A_112 = vector.load %arg4[%get3A_109, %get3A_110, %get3A_111] : memref<9x128x64xf32, #tpu.memory_space<vmem>>, vector<1x128x64xf32>
    %get3A_113 = vector.shape_cast %get3A_112 : vector<1x128x64xf32> to vector<128x64xf32>
    %dot_general3A_114 = arith.constant dense<0.000000e+00> : vector<3136x64xf32>
    %dot_general3A_115 = tpu.matmul %reshape3A_108, %get3A_113, %dot_general3A_114 {dimension_numbers = #tpu.dot_dimension_numbers<[1], [0], [0], [1], [0, 0, 1, 1], [], []>, transpose_lhs_hint = false} : vector<3136x128xf32>, vector<128x64xf32>, vector<3136x64xf32> -> vector<3136x64xf32>
    %add3A_116 = arith.addf %dot_general3A_103, %dot_general3A_115 : vector<3136x64xf32>
    %get3A_117 = arith.constant 0 : index
    %get3A_118 = arith.constant 2 : index
    %get3A_119 = arith.constant 0 : index
    %get3A_120 = vector.load %arg18[%get3A_117, %get3A_118, %get3A_119] : memref<58x58x128xf32, #tpu.memory_space<vmem>>, vector<56x56x128xf32>
    %reshape3A_121 = vector.shape_cast %get3A_120 : vector<56x56x128xf32> to vector<3136x128xf32>
    %get3A_122 = arith.constant 2 : index
    %get3A_123 = arith.constant 0 : index
    %get3A_124 = arith.constant 0 : index
    %get3A_125 = vector.load %arg4[%get3A_122, %get3A_123, %get3A_124] : memref<9x128x64xf32, #tpu.memory_space<vmem>>, vector<1x128x64xf32>
    %get3A_126 = vector.shape_cast %get3A_125 : vector<1x128x64xf32> to vector<128x64xf32>
    %dot_general3A_127 = arith.constant dense<0.000000e+00> : vector<3136x64xf32>
    %dot_general3A_128 = tpu.matmul %reshape3A_121, %get3A_126, %dot_general3A_127 {dimension_numbers = #tpu.dot_dimension_numbers<[1], [0], [0], [1], [0, 0, 1, 1], [], []>, transpose_lhs_hint = false} : vector<3136x128xf32>, vector<128x64xf32>, vector<3136x64xf32> -> vector<3136x64xf32>
    %add3A_129 = arith.addf %add3A_116, %dot_general3A_128 : vector<3136x64xf32>
    %get3A_130 = arith.constant 1 : index
    %get3A_131 = arith.constant 0 : index
    %get3A_132 = arith.constant 0 : index
    %get3A_133 = vector.load %arg18[%get3A_130, %get3A_131, %get3A_132] : memref<58x58x128xf32, #tpu.memory_space<vmem>>, vector<56x56x128xf32>
    %reshape3A_134 = vector.shape_cast %get3A_133 : vector<56x56x128xf32> to vector<3136x128xf32>
    %get3A_135 = arith.constant 3 : index
    %get3A_136 = arith.constant 0 : index
    %get3A_137 = arith.constant 0 : index
    %get3A_138 = vector.load %arg4[%get3A_135, %get3A_136, %get3A_137] : memref<9x128x64xf32, #tpu.memory_space<vmem>>, vector<1x128x64xf32>
    %get3A_139 = vector.shape_cast %get3A_138 : vector<1x128x64xf32> to vector<128x64xf32>
    %dot_general3A_140 = arith.constant dense<0.000000e+00> : vector<3136x64xf32>
    %dot_general3A_141 = tpu.matmul %reshape3A_134, %get3A_139, %dot_general3A_140 {dimension_numbers = #tpu.dot_dimension_numbers<[1], [0], [0], [1], [0, 0, 1, 1], [], []>, transpose_lhs_hint = false} : vector<3136x128xf32>, vector<128x64xf32>, vector<3136x64xf32> -> vector<3136x64xf32>
    %add3A_142 = arith.addf %add3A_129, %dot_general3A_141 : vector<3136x64xf32>
    %get3A_143 = arith.constant 1 : index
    %get3A_144 = arith.constant 1 : index
    %get3A_145 = arith.constant 0 : index
    %get3A_146 = vector.load %arg18[%get3A_143, %get3A_144, %get3A_145] : memref<58x58x128xf32, #tpu.memory_space<vmem>>, vector<56x56x128xf32>
    %reshape3A_147 = vector.shape_cast %get3A_146 : vector<56x56x128xf32> to vector<3136x128xf32>
    %get3A_148 = arith.constant 4 : index
    %get3A_149 = arith.constant 0 : index
    %get3A_150 = arith.constant 0 : index
    %get3A_151 = vector.load %arg4[%get3A_148, %get3A_149, %get3A_150] : memref<9x128x64xf32, #tpu.memory_space<vmem>>, vector<1x128x64xf32>
    %get3A_152 = vector.shape_cast %get3A_151 : vector<1x128x64xf32> to vector<128x64xf32>
    %dot_general3A_153 = arith.constant dense<0.000000e+00> : vector<3136x64xf32>
    %dot_general3A_154 = tpu.matmul %reshape3A_147, %get3A_152, %dot_general3A_153 {dimension_numbers = #tpu.dot_dimension_numbers<[1], [0], [0], [1], [0, 0, 1, 1], [], []>, transpose_lhs_hint = false} : vector<3136x128xf32>, vector<128x64xf32>, vector<3136x64xf32> -> vector<3136x64xf32>
    %add3A_155 = arith.addf %add3A_142, %dot_general3A_154 : vector<3136x64xf32>
    %get3A_156 = arith.constant 1 : index
    %get3A_157 = arith.constant 2 : index
    %get3A_158 = arith.constant 0 : index
    %get3A_159 = vector.load %arg18[%get3A_156, %get3A_157, %get3A_158] : memref<58x58x128xf32, #tpu.memory_space<vmem>>, vector<56x56x128xf32>
    %reshape3A_160 = vector.shape_cast %get3A_159 : vector<56x56x128xf32> to vector<3136x128xf32>
    %get3A_161 = arith.constant 5 : index
    %get3A_162 = arith.constant 0 : index
    %get3A_163 = arith.constant 0 : index
    %get3A_164 = vector.load %arg4[%get3A_161, %get3A_162, %get3A_163] : memref<9x128x64xf32, #tpu.memory_space<vmem>>, vector<1x128x64xf32>
    %get3A_165 = vector.shape_cast %get3A_164 : vector<1x128x64xf32> to vector<128x64xf32>
    %dot_general3A_166 = arith.constant dense<0.000000e+00> : vector<3136x64xf32>
    %dot_general3A_167 = tpu.matmul %reshape3A_160, %get3A_165, %dot_general3A_166 {dimension_numbers = #tpu.dot_dimension_numbers<[1], [0], [0], [1], [0, 0, 1, 1], [], []>, transpose_lhs_hint = false} : vector<3136x128xf32>, vector<128x64xf32>, vector<3136x64xf32> -> vector<3136x64xf32>
    %add3A_168 = arith.addf %add3A_155, %dot_general3A_167 : vector<3136x64xf32>
    %get3A_169 = arith.constant 2 : index
    %get3A_170 = arith.constant 0 : index
    %get3A_171 = arith.constant 0 : index
    %get3A_172 = vector.load %arg18[%get3A_169, %get3A_170, %get3A_171] : memref<58x58x128xf32, #tpu.memory_space<vmem>>, vector<56x56x128xf32>
    %reshape3A_173 = vector.shape_cast %get3A_172 : vector<56x56x128xf32> to vector<3136x128xf32>
    %get3A_174 = arith.constant 6 : index
    %get3A_175 = arith.constant 0 : index
    %get3A_176 = arith.constant 0 : index
    %get3A_177 = vector.load %arg4[%get3A_174, %get3A_175, %get3A_176] : memref<9x128x64xf32, #tpu.memory_space<vmem>>, vector<1x128x64xf32>
    %get3A_178 = vector.shape_cast %get3A_177 : vector<1x128x64xf32> to vector<128x64xf32>
    %dot_general3A_179 = arith.constant dense<0.000000e+00> : vector<3136x64xf32>
    %dot_general3A_180 = tpu.matmul %reshape3A_173, %get3A_178, %dot_general3A_179 {dimension_numbers = #tpu.dot_dimension_numbers<[1], [0], [0], [1], [0, 0, 1, 1], [], []>, transpose_lhs_hint = false} : vector<3136x128xf32>, vector<128x64xf32>, vector<3136x64xf32> -> vector<3136x64xf32>
    %add3A_181 = arith.addf %add3A_168, %dot_general3A_180 : vector<3136x64xf32>
    %get3A_182 = arith.constant 2 : index
    %get3A_183 = arith.constant 1 : index
    %get3A_184 = arith.constant 0 : index
    %get3A_185 = vector.load %arg18[%get3A_182, %get3A_183, %get3A_184] : memref<58x58x128xf32, #tpu.memory_space<vmem>>, vector<56x56x128xf32>
    %reshape3A_186 = vector.shape_cast %get3A_185 : vector<56x56x128xf32> to vector<3136x128xf32>
    %get3A_187 = arith.constant 7 : index
    %get3A_188 = arith.constant 0 : index
    %get3A_189 = arith.constant 0 : index
    %get3A_190 = vector.load %arg4[%get3A_187, %get3A_188, %get3A_189] : memref<9x128x64xf32, #tpu.memory_space<vmem>>, vector<1x128x64xf32>
    %get3A_191 = vector.shape_cast %get3A_190 : vector<1x128x64xf32> to vector<128x64xf32>
    %dot_general3A_192 = arith.constant dense<0.000000e+00> : vector<3136x64xf32>
    %dot_general3A_193 = tpu.matmul %reshape3A_186, %get3A_191, %dot_general3A_192 {dimension_numbers = #tpu.dot_dimension_numbers<[1], [0], [0], [1], [0, 0, 1, 1], [], []>, transpose_lhs_hint = false} : vector<3136x128xf32>, vector<128x64xf32>, vector<3136x64xf32> -> vector<3136x64xf32>
    %add3A_194 = arith.addf %add3A_181, %dot_general3A_193 : vector<3136x64xf32>
    %get3A_195 = arith.constant 2 : index
    %get3A_196 = arith.constant 2 : index
    %get3A_197 = arith.constant 0 : index
    %get3A_198 = vector.load %arg18[%get3A_195, %get3A_196, %get3A_197] : memref<58x58x128xf32, #tpu.memory_space<vmem>>, vector<56x56x128xf32>
    %reshape3A_199 = vector.shape_cast %get3A_198 : vector<56x56x128xf32> to vector<3136x128xf32>
    %get3A_200 = arith.constant 8 : index
    %get3A_201 = arith.constant 0 : index
    %get3A_202 = arith.constant 0 : index
    %get3A_203 = vector.load %arg4[%get3A_200, %get3A_201, %get3A_202] : memref<9x128x64xf32, #tpu.memory_space<vmem>>, vector<1x128x64xf32>
    %get3A_204 = vector.shape_cast %get3A_203 : vector<1x128x64xf32> to vector<128x64xf32>
    %dot_general3A_205 = arith.constant dense<0.000000e+00> : vector<3136x64xf32>
    %dot_general3A_206 = tpu.matmul %reshape3A_199, %get3A_204, %dot_general3A_205 {dimension_numbers = #tpu.dot_dimension_numbers<[1], [0], [0], [1], [0, 0, 1, 1], [], []>, transpose_lhs_hint = false} : vector<3136x128xf32>, vector<128x64xf32>, vector<3136x64xf32> -> vector<3136x64xf32>
    %add3A_207 = arith.addf %add3A_194, %dot_general3A_206 : vector<3136x64xf32>
    %get3A_208 = arith.constant 0 : index
    %get3A_209 = arith.constant 0 : index
    %get3A_210 = vector.load %arg5[%get3A_208, %get3A_209] : memref<1x64xf32, #tpu.memory_space<vmem>>, vector<1x64xf32>
    %add3A_211 = vector.broadcast %get3A_210 : vector<1x64xf32> to vector<3136x64xf32>
    %add3A_212 = arith.addf %add3A_207, %add3A_211 : vector<3136x64xf32>
    %max3A_213 = arith.constant 0.000000e+00 : f32
    %max3A_214 = vector.broadcast %max3A_213 : f32 to vector<3136x64xf32>
    %max3A_215 = arith.maximumf %add3A_212, %max3A_214 : vector<3136x64xf32>
    %broadcast_in_dim3A_216 = arith.constant 0.000000e+00 : f32
    %broadcast_in_dim3A_217 = vector.broadcast %broadcast_in_dim3A_216 : f32 to vector<58x58x64xf32>
    %swap3A_218 = arith.constant 0 : index
    %swap3A_219 = arith.constant 0 : index
    %swap3A_220 = arith.constant 0 : index
    %swap3A_221 = vector.load %arg19[%swap3A_218, %swap3A_219, %swap3A_220] : memref<58x58x64xf32, #tpu.memory_space<vmem>>, vector<58x58x64xf32>
    tpu.vector_store %arg19[%swap3A_218, %swap3A_219, %swap3A_220], %broadcast_in_dim3A_217 {strides = array<i32>} : memref<58x58x64xf32, #tpu.memory_space<vmem>>, vector<58x58x64xf32>,
    %reshape3A_222 = vector.shape_cast %max3A_215 : vector<3136x64xf32> to vector<56x56x64xf32>
    %swap3A_223 = arith.constant 1 : index
    %swap3A_224 = arith.constant 1 : index
    %swap3A_225 = arith.constant 0 : index
    %swap3A_226 = vector.load %arg19[%swap3A_223, %swap3A_224, %swap3A_225] : memref<58x58x64xf32, #tpu.memory_space<vmem>>, vector<56x56x64xf32>
    tpu.vector_store %arg19[%swap3A_223, %swap3A_224, %swap3A_225], %reshape3A_222 {strides = array<i32>} : memref<58x58x64xf32, #tpu.memory_space<vmem>>, vector<56x56x64xf32>,
    %get3A_227 = arith.constant 0 : index
    %get3A_228 = arith.constant 0 : index
    %get3A_229 = arith.constant 0 : index
    %get3A_230 = vector.load %arg19[%get3A_227, %get3A_228, %get3A_229] : memref<58x58x64xf32, #tpu.memory_space<vmem>>, vector<56x56x64xf32>
    %reshape3A_231 = vector.shape_cast %get3A_230 : vector<56x56x64xf32> to vector<3136x64xf32>
    %get3A_232 = arith.constant 0 : index
    %get3A_233 = arith.constant 0 : index
    %get3A_234 = arith.constant 0 : index
    %get3A_235 = vector.load %arg6[%get3A_232, %get3A_233, %get3A_234] : memref<9x64x64xf32, #tpu.memory_space<vmem>>, vector<1x64x64xf32>
    %get3A_236 = vector.shape_cast %get3A_235 : vector<1x64x64xf32> to vector<64x64xf32>
    %dot_general3A_237 = arith.constant dense<0.000000e+00> : vector<3136x64xf32>
    %dot_general3A_238 = tpu.matmul %reshape3A_231, %get3A_236, %dot_general3A_237 {dimension_numbers = #tpu.dot_dimension_numbers<[1], [0], [0], [1], [0, 0, 1, 1], [], []>, transpose_lhs_hint = false} : vector<3136x64xf32>, vector<64x64xf32>, vector<3136x64xf32> -> vector<3136x64xf32>
    %get3A_239 = arith.constant 0 : index
    %get3A_240 = arith.constant 1 : index
    %get3A_241 = arith.constant 0 : index
    %get3A_242 = vector.load %arg19[%get3A_239, %get3A_240, %get3A_241] : memref<58x58x64xf32, #tpu.memory_space<vmem>>, vector<56x56x64xf32>
    %reshape3A_243 = vector.shape_cast %get3A_242 : vector<56x56x64xf32> to vector<3136x64xf32>
    %get3A_244 = arith.constant 1 : index
    %get3A_245 = arith.constant 0 : index
    %get3A_246 = arith.constant 0 : index
    %get3A_247 = vector.load %arg6[%get3A_244, %get3A_245, %get3A_246] : memref<9x64x64xf32, #tpu.memory_space<vmem>>, vector<1x64x64xf32>
    %get3A_248 = vector.shape_cast %get3A_247 : vector<1x64x64xf32> to vector<64x64xf32>
    %dot_general3A_249 = arith.constant dense<0.000000e+00> : vector<3136x64xf32>
    %dot_general3A_250 = tpu.matmul %reshape3A_243, %get3A_248, %dot_general3A_249 {dimension_numbers = #tpu.dot_dimension_numbers<[1], [0], [0], [1], [0, 0, 1, 1], [], []>, transpose_lhs_hint = false} : vector<3136x64xf32>, vector<64x64xf32>, vector<3136x64xf32> -> vector<3136x64xf32>
    %add3A_251 = arith.addf %dot_general3A_238, %dot_general3A_250 : vector<3136x64xf32>
    %get3A_252 = arith.constant 0 : index
    %get3A_253 = arith.constant 2 : index
    %get3A_254 = arith.constant 0 : index
    %get3A_255 = vector.load %arg19[%get3A_252, %get3A_253, %get3A_254] : memref<58x58x64xf32, #tpu.memory_space<vmem>>, vector<56x56x64xf32>
    %reshape3A_256 = vector.shape_cast %get3A_255 : vector<56x56x64xf32> to vector<3136x64xf32>
    %get3A_257 = arith.constant 2 : index
    %get3A_258 = arith.constant 0 : index
    %get3A_259 = arith.constant 0 : index
    %get3A_260 = vector.load %arg6[%get3A_257, %get3A_258, %get3A_259] : memref<9x64x64xf32, #tpu.memory_space<vmem>>, vector<1x64x64xf32>
    %get3A_261 = vector.shape_cast %get3A_260 : vector<1x64x64xf32> to vector<64x64xf32>
    %dot_general3A_262 = arith.constant dense<0.000000e+00> : vector<3136x64xf32>
    %dot_general3A_263 = tpu.matmul %reshape3A_256, %get3A_261, %dot_general3A_262 {dimension_numbers = #tpu.dot_dimension_numbers<[1], [0], [0], [1], [0, 0, 1, 1], [], []>, transpose_lhs_hint = false} : vector<3136x64xf32>, vector<64x64xf32>, vector<3136x64xf32> -> vector<3136x64xf32>
    %add3A_264 = arith.addf %add3A_251, %dot_general3A_263 : vector<3136x64xf32>
    %get3A_265 = arith.constant 1 : index
    %get3A_266 = arith.constant 0 : index
    %get3A_267 = arith.constant 0 : index
    %get3A_268 = vector.load %arg19[%get3A_265, %get3A_266, %get3A_267] : memref<58x58x64xf32, #tpu.memory_space<vmem>>, vector<56x56x64xf32>
    %reshape3A_269 = vector.shape_cast %get3A_268 : vector<56x56x64xf32> to vector<3136x64xf32>
    %get3A_270 = arith.constant 3 : index
    %get3A_271 = arith.constant 0 : index
    %get3A_272 = arith.constant 0 : index
    %get3A_273 = vector.load %arg6[%get3A_270, %get3A_271, %get3A_272] : memref<9x64x64xf32, #tpu.memory_space<vmem>>, vector<1x64x64xf32>
    %get3A_274 = vector.shape_cast %get3A_273 : vector<1x64x64xf32> to vector<64x64xf32>
    %dot_general3A_275 = arith.constant dense<0.000000e+00> : vector<3136x64xf32>
    %dot_general3A_276 = tpu.matmul %reshape3A_269, %get3A_274, %dot_general3A_275 {dimension_numbers = #tpu.dot_dimension_numbers<[1], [0], [0], [1], [0, 0, 1, 1], [], []>, transpose_lhs_hint = false} : vector<3136x64xf32>, vector<64x64xf32>, vector<3136x64xf32> -> vector<3136x64xf32>
    %add3A_277 = arith.addf %add3A_264, %dot_general3A_276 : vector<3136x64xf32>
    %get3A_278 = arith.constant 1 : index
    %get3A_279 = arith.constant 1 : index
    %get3A_280 = arith.constant 0 : index
    %get3A_281 = vector.load %arg19[%get3A_278, %get3A_279, %get3A_280] : memref<58x58x64xf32, #tpu.memory_space<vmem>>, vector<56x56x64xf32>
    %reshape3A_282 = vector.shape_cast %get3A_281 : vector<56x56x64xf32> to vector<3136x64xf32>
    %get3A_283 = arith.constant 4 : index
    %get3A_284 = arith.constant 0 : index
    %get3A_285 = arith.constant 0 : index
    %get3A_286 = vector.load %arg6[%get3A_283, %get3A_284, %get3A_285] : memref<9x64x64xf32, #tpu.memory_space<vmem>>, vector<1x64x64xf32>
    %get3A_287 = vector.shape_cast %get3A_286 : vector<1x64x64xf32> to vector<64x64xf32>
    %dot_general3A_288 = arith.constant dense<0.000000e+00> : vector<3136x64xf32>
    %dot_general3A_289 = tpu.matmul %reshape3A_282, %get3A_287, %dot_general3A_288 {dimension_numbers = #tpu.dot_dimension_numbers<[1], [0], [0], [1], [0, 0, 1, 1], [], []>, transpose_lhs_hint = false} : vector<3136x64xf32>, vector<64x64xf32>, vector<3136x64xf32> -> vector<3136x64xf32>
    %add3A_290 = arith.addf %add3A_277, %dot_general3A_289 : vector<3136x64xf32>
    %get3A_291 = arith.constant 1 : index
    %get3A_292 = arith.constant 2 : index
    %get3A_293 = arith.constant 0 : index
    %get3A_294 = vector.load %arg19[%get3A_291, %get3A_292, %get3A_293] : memref<58x58x64xf32, #tpu.memory_space<vmem>>, vector<56x56x64xf32>
    %reshape3A_295 = vector.shape_cast %get3A_294 : vector<56x56x64xf32> to vector<3136x64xf32>
    %get3A_296 = arith.constant 5 : index
    %get3A_297 = arith.constant 0 : index
    %get3A_298 = arith.constant 0 : index
    %get3A_299 = vector.load %arg6[%get3A_296, %get3A_297, %get3A_298] : memref<9x64x64xf32, #tpu.memory_space<vmem>>, vector<1x64x64xf32>
    %get3A_300 = vector.shape_cast %get3A_299 : vector<1x64x64xf32> to vector<64x64xf32>
    %dot_general3A_301 = arith.constant dense<0.000000e+00> : vector<3136x64xf32>
    %dot_general3A_302 = tpu.matmul %reshape3A_295, %get3A_300, %dot_general3A_301 {dimension_numbers = #tpu.dot_dimension_numbers<[1], [0], [0], [1], [0, 0, 1, 1], [], []>, transpose_lhs_hint = false} : vector<3136x64xf32>, vector<64x64xf32>, vector<3136x64xf32> -> vector<3136x64xf32>
    %add3A_303 = arith.addf %add3A_290, %dot_general3A_302 : vector<3136x64xf32>
    %get3A_304 = arith.constant 2 : index
    %get3A_305 = arith.constant 0 : index
    %get3A_306 = arith.constant 0 : index
    %get3A_307 = vector.load %arg19[%get3A_304, %get3A_305, %get3A_306] : memref<58x58x64xf32, #tpu.memory_space<vmem>>, vector<56x56x64xf32>
    %reshape3A_308 = vector.shape_cast %get3A_307 : vector<56x56x64xf32> to vector<3136x64xf32>
    %get3A_309 = arith.constant 6 : index
    %get3A_310 = arith.constant 0 : index
    %get3A_311 = arith.constant 0 : index
    %get3A_312 = vector.load %arg6[%get3A_309, %get3A_310, %get3A_311] : memref<9x64x64xf32, #tpu.memory_space<vmem>>, vector<1x64x64xf32>
    %get3A_313 = vector.shape_cast %get3A_312 : vector<1x64x64xf32> to vector<64x64xf32>
    %dot_general3A_314 = arith.constant dense<0.000000e+00> : vector<3136x64xf32>
    %dot_general3A_315 = tpu.matmul %reshape3A_308, %get3A_313, %dot_general3A_314 {dimension_numbers = #tpu.dot_dimension_numbers<[1], [0], [0], [1], [0, 0, 1, 1], [], []>, transpose_lhs_hint = false} : vector<3136x64xf32>, vector<64x64xf32>, vector<3136x64xf32> -> vector<3136x64xf32>
    %add3A_316 = arith.addf %add3A_303, %dot_general3A_315 : vector<3136x64xf32>
    %get3A_317 = arith.constant 2 : index
    %get3A_318 = arith.constant 1 : index
    %get3A_319 = arith.constant 0 : index
    %get3A_320 = vector.load %arg19[%get3A_317, %get3A_318, %get3A_319] : memref<58x58x64xf32, #tpu.memory_space<vmem>>, vector<56x56x64xf32>
    %reshape3A_321 = vector.shape_cast %get3A_320 : vector<56x56x64xf32> to vector<3136x64xf32>
    %get3A_322 = arith.constant 7 : index
    %get3A_323 = arith.constant 0 : index
    %get3A_324 = arith.constant 0 : index
    %get3A_325 = vector.load %arg6[%get3A_322, %get3A_323, %get3A_324] : memref<9x64x64xf32, #tpu.memory_space<vmem>>, vector<1x64x64xf32>
    %get3A_326 = vector.shape_cast %get3A_325 : vector<1x64x64xf32> to vector<64x64xf32>
    %dot_general3A_327 = arith.constant dense<0.000000e+00> : vector<3136x64xf32>
    %dot_general3A_328 = tpu.matmul %reshape3A_321, %get3A_326, %dot_general3A_327 {dimension_numbers = #tpu.dot_dimension_numbers<[1], [0], [0], [1], [0, 0, 1, 1], [], []>, transpose_lhs_hint = false} : vector<3136x64xf32>, vector<64x64xf32>, vector<3136x64xf32> -> vector<3136x64xf32>
    %add3A_329 = arith.addf %add3A_316, %dot_general3A_328 : vector<3136x64xf32>
    %get3A_330 = arith.constant 2 : index
    %get3A_331 = arith.constant 2 : index
    %get3A_332 = arith.constant 0 : index
    %get3A_333 = vector.load %arg19[%get3A_330, %get3A_331, %get3A_332] : memref<58x58x64xf32, #tpu.memory_space<vmem>>, vector<56x56x64xf32>
    %reshape3A_334 = vector.shape_cast %get3A_333 : vector<56x56x64xf32> to vector<3136x64xf32>
    %get3A_335 = arith.constant 8 : index
    %get3A_336 = arith.constant 0 : index
    %get3A_337 = arith.constant 0 : index
    %get3A_338 = vector.load %arg6[%get3A_335, %get3A_336, %get3A_337] : memref<9x64x64xf32, #tpu.memory_space<vmem>>, vector<1x64x64xf32>
    %get3A_339 = vector.shape_cast %get3A_338 : vector<1x64x64xf32> to vector<64x64xf32>
    %dot_general3A_340 = arith.constant dense<0.000000e+00> : vector<3136x64xf32>
    %dot_general3A_341 = tpu.matmul %reshape3A_334, %get3A_339, %dot_general3A_340 {dimension_numbers = #tpu.dot_dimension_numbers<[1], [0], [0], [1], [0, 0, 1, 1], [], []>, transpose_lhs_hint = false} : vector<3136x64xf32>, vector<64x64xf32>, vector<3136x64xf32> -> vector<3136x64xf32>
    %add3A_342 = arith.addf %add3A_329, %dot_general3A_341 : vector<3136x64xf32>
    %get3A_343 = arith.constant 0 : index
    %get3A_344 = arith.constant 0 : index
    %get3A_345 = vector.load %arg7[%get3A_343, %get3A_344] : memref<1x64xf32, #tpu.memory_space<vmem>>, vector<1x64xf32>
    %add3A_346 = vector.broadcast %get3A_345 : vector<1x64xf32> to vector<3136x64xf32>
    %add3A_347 = arith.addf %add3A_342, %add3A_346 : vector<3136x64xf32>
    %max3A_348 = arith.constant 0.000000e+00 : f32
    %max3A_349 = vector.broadcast %max3A_348 : f32 to vector<3136x64xf32>
    %max3A_350 = arith.maximumf %add3A_347, %max3A_349 : vector<3136x64xf32>
    %broadcast_in_dim3A_351 = arith.constant 0.000000e+00 : f32
    %broadcast_in_dim3A_352 = vector.broadcast %broadcast_in_dim3A_351 : f32 to vector<58x58x64xf32>
    %swap3A_353 = arith.constant 0 : index
    %swap3A_354 = arith.constant 0 : index
    %swap3A_355 = arith.constant 0 : index
    %swap3A_356 = vector.load %arg20[%swap3A_353, %swap3A_354, %swap3A_355] : memref<58x58x64xf32, #tpu.memory_space<vmem>>, vector<58x58x64xf32>
    tpu.vector_store %arg20[%swap3A_353, %swap3A_354, %swap3A_355], %broadcast_in_dim3A_352 {strides = array<i32>} : memref<58x58x64xf32, #tpu.memory_space<vmem>>, vector<58x58x64xf32>,
    %reshape3A_357 = vector.shape_cast %max3A_350 : vector<3136x64xf32> to vector<56x56x64xf32>
    %swap3A_358 = arith.constant 1 : index
    %swap3A_359 = arith.constant 1 : index
    %swap3A_360 = arith.constant 0 : index
    %swap3A_361 = vector.load %arg20[%swap3A_358, %swap3A_359, %swap3A_360] : memref<58x58x64xf32, #tpu.memory_space<vmem>>, vector<56x56x64xf32>
    tpu.vector_store %arg20[%swap3A_358, %swap3A_359, %swap3A_360], %reshape3A_357 {strides = array<i32>} : memref<58x58x64xf32, #tpu.memory_space<vmem>>, vector<56x56x64xf32>,
    %get3A_362 = arith.constant 0 : index
    %get3A_363 = arith.constant 0 : index
    %get3A_364 = arith.constant 0 : index
    %get3A_365 = vector.load %arg20[%get3A_362, %get3A_363, %get3A_364] : memref<58x58x64xf32, #tpu.memory_space<vmem>>, vector<56x56x64xf32>
    %reshape3A_366 = vector.shape_cast %get3A_365 : vector<56x56x64xf32> to vector<3136x64xf32>
    %get3A_367 = arith.constant 0 : index
    %get3A_368 = arith.constant 0 : index
    %get3A_369 = arith.constant 0 : index
    %get3A_370 = arith.constant 0 : index
    %get3A_371 = vector.load %arg8[%get3A_367, %get3A_368, %get3A_369, %get3A_370] : memref<2x9x64x32xf32, #tpu.memory_space<vmem>>, vector<1x1x64x32xf32>
    %get3A_372 = vector.shape_cast %get3A_371 : vector<1x1x64x32xf32> to vector<64x32xf32>
    %dot_general3A_373 = arith.constant dense<0.000000e+00> : vector<3136x32xf32>
    %dot_general3A_374 = tpu.matmul %reshape3A_366, %get3A_372, %dot_general3A_373 {dimension_numbers = #tpu.dot_dimension_numbers<[1], [0], [0], [1], [0, 0, 1, 1], [], []>, transpose_lhs_hint = false} : vector<3136x64xf32>, vector<64x32xf32>, vector<3136x32xf32> -> vector<3136x32xf32>
    %get3A_375 = arith.constant 0 : index
    %get3A_376 = arith.constant 1 : index
    %get3A_377 = arith.constant 0 : index
    %get3A_378 = vector.load %arg20[%get3A_375, %get3A_376, %get3A_377] : memref<58x58x64xf32, #tpu.memory_space<vmem>>, vector<56x56x64xf32>
    %reshape3A_379 = vector.shape_cast %get3A_378 : vector<56x56x64xf32> to vector<3136x64xf32>
    %get3A_380 = arith.constant 0 : index
    %get3A_381 = arith.constant 1 : index
    %get3A_382 = arith.constant 0 : index
    %get3A_383 = arith.constant 0 : index
    %get3A_384 = vector.load %arg8[%get3A_380, %get3A_381, %get3A_382, %get3A_383] : memref<2x9x64x32xf32, #tpu.memory_space<vmem>>, vector<1x1x64x32xf32>
    %get3A_385 = vector.shape_cast %get3A_384 : vector<1x1x64x32xf32> to vector<64x32xf32>
    %dot_general3A_386 = arith.constant dense<0.000000e+00> : vector<3136x32xf32>
    %dot_general3A_387 = tpu.matmul %reshape3A_379, %get3A_385, %dot_general3A_386 {dimension_numbers = #tpu.dot_dimension_numbers<[1], [0], [0], [1], [0, 0, 1, 1], [], []>, transpose_lhs_hint = false} : vector<3136x64xf32>, vector<64x32xf32>, vector<3136x32xf32> -> vector<3136x32xf32>
    %add3A_388 = arith.addf %dot_general3A_374, %dot_general3A_387 : vector<3136x32xf32>
    %get3A_389 = arith.constant 0 : index
    %get3A_390 = arith.constant 2 : index
    %get3A_391 = arith.constant 0 : index
    %get3A_392 = vector.load %arg20[%get3A_389, %get3A_390, %get3A_391] : memref<58x58x64xf32, #tpu.memory_space<vmem>>, vector<56x56x64xf32>
    %reshape3A_393 = vector.shape_cast %get3A_392 : vector<56x56x64xf32> to vector<3136x64xf32>
    %get3A_394 = arith.constant 0 : index
    %get3A_395 = arith.constant 2 : index
    %get3A_396 = arith.constant 0 : index
    %get3A_397 = arith.constant 0 : index
    %get3A_398 = vector.load %arg8[%get3A_394, %get3A_395, %get3A_396, %get3A_397] : memref<2x9x64x32xf32, #tpu.memory_space<vmem>>, vector<1x1x64x32xf32>
    %get3A_399 = vector.shape_cast %get3A_398 : vector<1x1x64x32xf32> to vector<64x32xf32>
    %dot_general3A_400 = arith.constant dense<0.000000e+00> : vector<3136x32xf32>
    %dot_general3A_401 = tpu.matmul %reshape3A_393, %get3A_399, %dot_general3A_400 {dimension_numbers = #tpu.dot_dimension_numbers<[1], [0], [0], [1], [0, 0, 1, 1], [], []>, transpose_lhs_hint = false} : vector<3136x64xf32>, vector<64x32xf32>, vector<3136x32xf32> -> vector<3136x32xf32>
    %add3A_402 = arith.addf %add3A_388, %dot_general3A_401 : vector<3136x32xf32>
    %get3A_403 = arith.constant 1 : index
    %get3A_404 = arith.constant 0 : index
    %get3A_405 = arith.constant 0 : index
    %get3A_406 = vector.load %arg20[%get3A_403, %get3A_404, %get3A_405] : memref<58x58x64xf32, #tpu.memory_space<vmem>>, vector<56x56x64xf32>
    %reshape3A_407 = vector.shape_cast %get3A_406 : vector<56x56x64xf32> to vector<3136x64xf32>
    %get3A_408 = arith.constant 0 : index
    %get3A_409 = arith.constant 3 : index
    %get3A_410 = arith.constant 0 : index
    %get3A_411 = arith.constant 0 : index
    %get3A_412 = vector.load %arg8[%get3A_408, %get3A_409, %get3A_410, %get3A_411] : memref<2x9x64x32xf32, #tpu.memory_space<vmem>>, vector<1x1x64x32xf32>
    %get3A_413 = vector.shape_cast %get3A_412 : vector<1x1x64x32xf32> to vector<64x32xf32>
    %dot_general3A_414 = arith.constant dense<0.000000e+00> : vector<3136x32xf32>
    %dot_general3A_415 = tpu.matmul %reshape3A_407, %get3A_413, %dot_general3A_414 {dimension_numbers = #tpu.dot_dimension_numbers<[1], [0], [0], [1], [0, 0, 1, 1], [], []>, transpose_lhs_hint = false} : vector<3136x64xf32>, vector<64x32xf32>, vector<3136x32xf32> -> vector<3136x32xf32>
    %add3A_416 = arith.addf %add3A_402, %dot_general3A_415 : vector<3136x32xf32>
    %get3A_417 = arith.constant 1 : index
    %get3A_418 = arith.constant 1 : index
    %get3A_419 = arith.constant 0 : index
    %get3A_420 = vector.load %arg20[%get3A_417, %get3A_418, %get3A_419] : memref<58x58x64xf32, #tpu.memory_space<vmem>>, vector<56x56x64xf32>
    %reshape3A_421 = vector.shape_cast %get3A_420 : vector<56x56x64xf32> to vector<3136x64xf32>
    %get3A_422 = arith.constant 0 : index
    %get3A_423 = arith.constant 4 : index
    %get3A_424 = arith.constant 0 : index
    %get3A_425 = arith.constant 0 : index
    %get3A_426 = vector.load %arg8[%get3A_422, %get3A_423, %get3A_424, %get3A_425] : memref<2x9x64x32xf32, #tpu.memory_space<vmem>>, vector<1x1x64x32xf32>
    %get3A_427 = vector.shape_cast %get3A_426 : vector<1x1x64x32xf32> to vector<64x32xf32>
    %dot_general3A_428 = arith.constant dense<0.000000e+00> : vector<3136x32xf32>
    %dot_general3A_429 = tpu.matmul %reshape3A_421, %get3A_427, %dot_general3A_428 {dimension_numbers = #tpu.dot_dimension_numbers<[1], [0], [0], [1], [0, 0, 1, 1], [], []>, transpose_lhs_hint = false} : vector<3136x64xf32>, vector<64x32xf32>, vector<3136x32xf32> -> vector<3136x32xf32>
    %add3A_430 = arith.addf %add3A_416, %dot_general3A_429 : vector<3136x32xf32>
    %get3A_431 = arith.constant 1 : index
    %get3A_432 = arith.constant 2 : index
    %get3A_433 = arith.constant 0 : index
    %get3A_434 = vector.load %arg20[%get3A_431, %get3A_432, %get3A_433] : memref<58x58x64xf32, #tpu.memory_space<vmem>>, vector<56x56x64xf32>
    %reshape3A_435 = vector.shape_cast %get3A_434 : vector<56x56x64xf32> to vector<3136x64xf32>
    %get3A_436 = arith.constant 0 : index
    %get3A_437 = arith.constant 5 : index
    %get3A_438 = arith.constant 0 : index
    %get3A_439 = arith.constant 0 : index
    %get3A_440 = vector.load %arg8[%get3A_436, %get3A_437, %get3A_438, %get3A_439] : memref<2x9x64x32xf32, #tpu.memory_space<vmem>>, vector<1x1x64x32xf32>
    %get3A_441 = vector.shape_cast %get3A_440 : vector<1x1x64x32xf32> to vector<64x32xf32>
    %dot_general3A_442 = arith.constant dense<0.000000e+00> : vector<3136x32xf32>
    %dot_general3A_443 = tpu.matmul %reshape3A_435, %get3A_441, %dot_general3A_442 {dimension_numbers = #tpu.dot_dimension_numbers<[1], [0], [0], [1], [0, 0, 1, 1], [], []>, transpose_lhs_hint = false} : vector<3136x64xf32>, vector<64x32xf32>, vector<3136x32xf32> -> vector<3136x32xf32>
    %add3A_444 = arith.addf %add3A_430, %dot_general3A_443 : vector<3136x32xf32>
    %get3A_445 = arith.constant 2 : index
    %get3A_446 = arith.constant 0 : index
    %get3A_447 = arith.constant 0 : index
    %get3A_448 = vector.load %arg20[%get3A_445, %get3A_446, %get3A_447] : memref<58x58x64xf32, #tpu.memory_space<vmem>>, vector<56x56x64xf32>
    %reshape3A_449 = vector.shape_cast %get3A_448 : vector<56x56x64xf32> to vector<3136x64xf32>
    %get3A_450 = arith.constant 0 : index
    %get3A_451 = arith.constant 6 : index
    %get3A_452 = arith.constant 0 : index
    %get3A_453 = arith.constant 0 : index
    %get3A_454 = vector.load %arg8[%get3A_450, %get3A_451, %get3A_452, %get3A_453] : memref<2x9x64x32xf32, #tpu.memory_space<vmem>>, vector<1x1x64x32xf32>
    %get3A_455 = vector.shape_cast %get3A_454 : vector<1x1x64x32xf32> to vector<64x32xf32>
    %dot_general3A_456 = arith.constant dense<0.000000e+00> : vector<3136x32xf32>
    %dot_general3A_457 = tpu.matmul %reshape3A_449, %get3A_455, %dot_general3A_456 {dimension_numbers = #tpu.dot_dimension_numbers<[1], [0], [0], [1], [0, 0, 1, 1], [], []>, transpose_lhs_hint = false} : vector<3136x64xf32>, vector<64x32xf32>, vector<3136x32xf32> -> vector<3136x32xf32>
    %add3A_458 = arith.addf %add3A_444, %dot_general3A_457 : vector<3136x32xf32>
    %get3A_459 = arith.constant 2 : index
    %get3A_460 = arith.constant 1 : index
    %get3A_461 = arith.constant 0 : index
    %get3A_462 = vector.load %arg20[%get3A_459, %get3A_460, %get3A_461] : memref<58x58x64xf32, #tpu.memory_space<vmem>>, vector<56x56x64xf32>
    %reshape3A_463 = vector.shape_cast %get3A_462 : vector<56x56x64xf32> to vector<3136x64xf32>
    %get3A_464 = arith.constant 0 : index
    %get3A_465 = arith.constant 7 : index
    %get3A_466 = arith.constant 0 : index
    %get3A_467 = arith.constant 0 : index
    %get3A_468 = vector.load %arg8[%get3A_464, %get3A_465, %get3A_466, %get3A_467] : memref<2x9x64x32xf32, #tpu.memory_space<vmem>>, vector<1x1x64x32xf32>
    %get3A_469 = vector.shape_cast %get3A_468 : vector<1x1x64x32xf32> to vector<64x32xf32>
    %dot_general3A_470 = arith.constant dense<0.000000e+00> : vector<3136x32xf32>
    %dot_general3A_471 = tpu.matmul %reshape3A_463, %get3A_469, %dot_general3A_470 {dimension_numbers = #tpu.dot_dimension_numbers<[1], [0], [0], [1], [0, 0, 1, 1], [], []>, transpose_lhs_hint = false} : vector<3136x64xf32>, vector<64x32xf32>, vector<3136x32xf32> -> vector<3136x32xf32>
    %add3A_472 = arith.addf %add3A_458, %dot_general3A_471 : vector<3136x32xf32>
    %get3A_473 = arith.constant 2 : index
    %get3A_474 = arith.constant 2 : index
    %get3A_475 = arith.constant 0 : index
    %get3A_476 = vector.load %arg20[%get3A_473, %get3A_474, %get3A_475] : memref<58x58x64xf32, #tpu.memory_space<vmem>>, vector<56x56x64xf32>
    %reshape3A_477 = vector.shape_cast %get3A_476 : vector<56x56x64xf32> to vector<3136x64xf32>
    %get3A_478 = arith.constant 0 : index
    %get3A_479 = arith.constant 8 : index
    %get3A_480 = arith.constant 0 : index
    %get3A_481 = arith.constant 0 : index
    %get3A_482 = vector.load %arg8[%get3A_478, %get3A_479, %get3A_480, %get3A_481] : memref<2x9x64x32xf32, #tpu.memory_space<vmem>>, vector<1x1x64x32xf32>
    %get3A_483 = vector.shape_cast %get3A_482 : vector<1x1x64x32xf32> to vector<64x32xf32>
    %dot_general3A_484 = arith.constant dense<0.000000e+00> : vector<3136x32xf32>
    %dot_general3A_485 = tpu.matmul %reshape3A_477, %get3A_483, %dot_general3A_484 {dimension_numbers = #tpu.dot_dimension_numbers<[1], [0], [0], [1], [0, 0, 1, 1], [], []>, transpose_lhs_hint = false} : vector<3136x64xf32>, vector<64x32xf32>, vector<3136x32xf32> -> vector<3136x32xf32>
    %add3A_486 = arith.addf %add3A_472, %dot_general3A_485 : vector<3136x32xf32>
    %get3A_487 = arith.constant 0 : index
    %get3A_488 = arith.constant 0 : index
    %get3A_489 = arith.constant 0 : index
    %get3A_490 = vector.load %arg9[%get3A_487, %get3A_488, %get3A_489] : memref<2x1x32xf32, #tpu.memory_space<vmem>>, vector<1x1x32xf32>
    %get3A_491 = vector.shape_cast %get3A_490 : vector<1x1x32xf32> to vector<1x32xf32>
    %add3A_492 = vector.broadcast %get3A_491 : vector<1x32xf32> to vector<3136x32xf32>
    %add3A_493 = arith.addf %add3A_486, %add3A_492 : vector<3136x32xf32>
    %max3A_494 = arith.constant 0.000000e+00 : f32
    %max3A_495 = vector.broadcast %max3A_494 : f32 to vector<3136x32xf32>
    %max3A_496 = arith.maximumf %add3A_493, %max3A_495 : vector<3136x32xf32>
    %get3A_497 = arith.constant 0 : index
    %get3A_498 = arith.constant 0 : index
    %get3A_499 = arith.constant 0 : index
    %get3A_500 = vector.load %arg10[%get3A_497, %get3A_498, %get3A_499] : memref<2x32x64xf32, #tpu.memory_space<vmem>>, vector<1x32x64xf32>
    %get3A_501 = vector.shape_cast %get3A_500 : vector<1x32x64xf32> to vector<32x64xf32>
    %dot_general3A_502 = arith.constant dense<0.000000e+00> : vector<3136x64xf32>
    %dot_general3A_503 = tpu.matmul %max3A_496, %get3A_501, %dot_general3A_502 {dimension_numbers = #tpu.dot_dimension_numbers<[1], [0], [0], [1], [0, 0, 1, 1], [], []>, transpose_lhs_hint = false} : vector<3136x32xf32>, vector<32x64xf32>, vector<3136x64xf32> -> vector<3136x64xf32>
    %get3A_504 = arith.constant 0 : index
    %get3A_505 = arith.constant 0 : index
    %get3A_506 = arith.constant 0 : index
    %get3A_507 = vector.load %arg11[%get3A_504, %get3A_505, %get3A_506] : memref<2x1x64xf32, #tpu.memory_space<vmem>>, vector<1x1x64xf32>
    %get3A_508 = vector.shape_cast %get3A_507 : vector<1x1x64xf32> to vector<1x64xf32>
    %add3A_509 = vector.broadcast %get3A_508 : vector<1x64xf32> to vector<3136x64xf32>
    %add3A_510 = arith.addf %dot_general3A_503, %add3A_509 : vector<3136x64xf32>
    %add3A_511 = arith.addf %add3A_347, %add3A_510 : vector<3136x64xf32>
    %max3A_512 = arith.constant 0.000000e+00 : f32
    %max3A_513 = vector.broadcast %max3A_512 : f32 to vector<3136x64xf32>
    %max3A_514 = arith.maximumf %add3A_511, %max3A_513 : vector<3136x64xf32>
    %broadcast_in_dim3A_515 = arith.constant 0.000000e+00 : f32
    %broadcast_in_dim3A_516 = vector.broadcast %broadcast_in_dim3A_515 : f32 to vector<58x58x64xf32>
    %swap3A_517 = arith.constant 0 : index
    %swap3A_518 = arith.constant 0 : index
    %swap3A_519 = arith.constant 0 : index
    %swap3A_520 = vector.load %arg20[%swap3A_517, %swap3A_518, %swap3A_519] : memref<58x58x64xf32, #tpu.memory_space<vmem>>, vector<58x58x64xf32>
    tpu.vector_store %arg20[%swap3A_517, %swap3A_518, %swap3A_519], %broadcast_in_dim3A_516 {strides = array<i32>} : memref<58x58x64xf32, #tpu.memory_space<vmem>>, vector<58x58x64xf32>,
    %reshape3A_521 = vector.shape_cast %max3A_514 : vector<3136x64xf32> to vector<56x56x64xf32>
    %swap3A_522 = arith.constant 1 : index
    %swap3A_523 = arith.constant 1 : index
    %swap3A_524 = arith.constant 0 : index
    %swap3A_525 = vector.load %arg20[%swap3A_522, %swap3A_523, %swap3A_524] : memref<58x58x64xf32, #tpu.memory_space<vmem>>, vector<56x56x64xf32>
    tpu.vector_store %arg20[%swap3A_522, %swap3A_523, %swap3A_524], %reshape3A_521 {strides = array<i32>} : memref<58x58x64xf32, #tpu.memory_space<vmem>>, vector<56x56x64xf32>,
    %get3A_526 = arith.constant 0 : index
    %get3A_527 = arith.constant 0 : index
    %get3A_528 = arith.constant 0 : index
    %get3A_529 = vector.load %arg20[%get3A_526, %get3A_527, %get3A_528] : memref<58x58x64xf32, #tpu.memory_space<vmem>>, vector<56x56x64xf32>
    %reshape3A_530 = vector.shape_cast %get3A_529 : vector<56x56x64xf32> to vector<3136x64xf32>
    %get3A_531 = arith.constant 1 : index
    %get3A_532 = arith.constant 0 : index
    %get3A_533 = arith.constant 0 : index
    %get3A_534 = arith.constant 0 : index
    %get3A_535 = vector.load %arg8[%get3A_531, %get3A_532, %get3A_533, %get3A_534] : memref<2x9x64x32xf32, #tpu.memory_space<vmem>>, vector<1x1x64x32xf32>
    %get3A_536 = vector.shape_cast %get3A_535 : vector<1x1x64x32xf32> to vector<64x32xf32>
    %dot_general3A_537 = arith.constant dense<0.000000e+00> : vector<3136x32xf32>
    %dot_general3A_538 = tpu.matmul %reshape3A_530, %get3A_536, %dot_general3A_537 {dimension_numbers = #tpu.dot_dimension_numbers<[1], [0], [0], [1], [0, 0, 1, 1], [], []>, transpose_lhs_hint = false} : vector<3136x64xf32>, vector<64x32xf32>, vector<3136x32xf32> -> vector<3136x32xf32>
    %get3A_539 = arith.constant 0 : index
    %get3A_540 = arith.constant 1 : index
    %get3A_541 = arith.constant 0 : index
    %get3A_542 = vector.load %arg20[%get3A_539, %get3A_540, %get3A_541] : memref<58x58x64xf32, #tpu.memory_space<vmem>>, vector<56x56x64xf32>
    %reshape3A_543 = vector.shape_cast %get3A_542 : vector<56x56x64xf32> to vector<3136x64xf32>
    %get3A_544 = arith.constant 1 : index
    %get3A_545 = arith.constant 1 : index
    %get3A_546 = arith.constant 0 : index
    %get3A_547 = arith.constant 0 : index
    %get3A_548 = vector.load %arg8[%get3A_544, %get3A_545, %get3A_546, %get3A_547] : memref<2x9x64x32xf32, #tpu.memory_space<vmem>>, vector<1x1x64x32xf32>
    %get3A_549 = vector.shape_cast %get3A_548 : vector<1x1x64x32xf32> to vector<64x32xf32>
    %dot_general3A_550 = arith.constant dense<0.000000e+00> : vector<3136x32xf32>
    %dot_general3A_551 = tpu.matmul %reshape3A_543, %get3A_549, %dot_general3A_550 {dimension_numbers = #tpu.dot_dimension_numbers<[1], [0], [0], [1], [0, 0, 1, 1], [], []>, transpose_lhs_hint = false} : vector<3136x64xf32>, vector<64x32xf32>, vector<3136x32xf32> -> vector<3136x32xf32>
    %add3A_552 = arith.addf %dot_general3A_538, %dot_general3A_551 : vector<3136x32xf32>
    %get3A_553 = arith.constant 0 : index
    %get3A_554 = arith.constant 2 : index
    %get3A_555 = arith.constant 0 : index
    %get3A_556 = vector.load %arg20[%get3A_553, %get3A_554, %get3A_555] : memref<58x58x64xf32, #tpu.memory_space<vmem>>, vector<56x56x64xf32>
    %reshape3A_557 = vector.shape_cast %get3A_556 : vector<56x56x64xf32> to vector<3136x64xf32>
    %get3A_558 = arith.constant 1 : index
    %get3A_559 = arith.constant 2 : index
    %get3A_560 = arith.constant 0 : index
    %get3A_561 = arith.constant 0 : index
    %get3A_562 = vector.load %arg8[%get3A_558, %get3A_559, %get3A_560, %get3A_561] : memref<2x9x64x32xf32, #tpu.memory_space<vmem>>, vector<1x1x64x32xf32>
    %get3A_563 = vector.shape_cast %get3A_562 : vector<1x1x64x32xf32> to vector<64x32xf32>
    %dot_general3A_564 = arith.constant dense<0.000000e+00> : vector<3136x32xf32>
    %dot_general3A_565 = tpu.matmul %reshape3A_557, %get3A_563, %dot_general3A_564 {dimension_numbers = #tpu.dot_dimension_numbers<[1], [0], [0], [1], [0, 0, 1, 1], [], []>, transpose_lhs_hint = false} : vector<3136x64xf32>, vector<64x32xf32>, vector<3136x32xf32> -> vector<3136x32xf32>
    %add3A_566 = arith.addf %add3A_552, %dot_general3A_565 : vector<3136x32xf32>
    %get3A_567 = arith.constant 1 : index
    %get3A_568 = arith.constant 0 : index
    %get3A_569 = arith.constant 0 : index
    %get3A_570 = vector.load %arg20[%get3A_567, %get3A_568, %get3A_569] : memref<58x58x64xf32, #tpu.memory_space<vmem>>, vector<56x56x64xf32>
    %reshape3A_571 = vector.shape_cast %get3A_570 : vector<56x56x64xf32> to vector<3136x64xf32>
    %get3A_572 = arith.constant 1 : index
    %get3A_573 = arith.constant 3 : index
    %get3A_574 = arith.constant 0 : index
    %get3A_575 = arith.constant 0 : index
    %get3A_576 = vector.load %arg8[%get3A_572, %get3A_573, %get3A_574, %get3A_575] : memref<2x9x64x32xf32, #tpu.memory_space<vmem>>, vector<1x1x64x32xf32>
    %get3A_577 = vector.shape_cast %get3A_576 : vector<1x1x64x32xf32> to vector<64x32xf32>
    %dot_general3A_578 = arith.constant dense<0.000000e+00> : vector<3136x32xf32>
    %dot_general3A_579 = tpu.matmul %reshape3A_571, %get3A_577, %dot_general3A_578 {dimension_numbers = #tpu.dot_dimension_numbers<[1], [0], [0], [1], [0, 0, 1, 1], [], []>, transpose_lhs_hint = false} : vector<3136x64xf32>, vector<64x32xf32>, vector<3136x32xf32> -> vector<3136x32xf32>
    %add3A_580 = arith.addf %add3A_566, %dot_general3A_579 : vector<3136x32xf32>
    %get3A_581 = arith.constant 1 : index
    %get3A_582 = arith.constant 1 : index
    %get3A_583 = arith.constant 0 : index
    %get3A_584 = vector.load %arg20[%get3A_581, %get3A_582, %get3A_583] : memref<58x58x64xf32, #tpu.memory_space<vmem>>, vector<56x56x64xf32>
    %reshape3A_585 = vector.shape_cast %get3A_584 : vector<56x56x64xf32> to vector<3136x64xf32>
    %get3A_586 = arith.constant 1 : index
    %get3A_587 = arith.constant 4 : index
    %get3A_588 = arith.constant 0 : index
    %get3A_589 = arith.constant 0 : index
    %get3A_590 = vector.load %arg8[%get3A_586, %get3A_587, %get3A_588, %get3A_589] : memref<2x9x64x32xf32, #tpu.memory_space<vmem>>, vector<1x1x64x32xf32>
    %get3A_591 = vector.shape_cast %get3A_590 : vector<1x1x64x32xf32> to vector<64x32xf32>
    %dot_general3A_592 = arith.constant dense<0.000000e+00> : vector<3136x32xf32>
    %dot_general3A_593 = tpu.matmul %reshape3A_585, %get3A_591, %dot_general3A_592 {dimension_numbers = #tpu.dot_dimension_numbers<[1], [0], [0], [1], [0, 0, 1, 1], [], []>, transpose_lhs_hint = false} : vector<3136x64xf32>, vector<64x32xf32>, vector<3136x32xf32> -> vector<3136x32xf32>
    %add3A_594 = arith.addf %add3A_580, %dot_general3A_593 : vector<3136x32xf32>
    %get3A_595 = arith.constant 1 : index
    %get3A_596 = arith.constant 2 : index
    %get3A_597 = arith.constant 0 : index
    %get3A_598 = vector.load %arg20[%get3A_595, %get3A_596, %get3A_597] : memref<58x58x64xf32, #tpu.memory_space<vmem>>, vector<56x56x64xf32>
    %reshape3A_599 = vector.shape_cast %get3A_598 : vector<56x56x64xf32> to vector<3136x64xf32>
    %get3A_600 = arith.constant 1 : index
    %get3A_601 = arith.constant 5 : index
    %get3A_602 = arith.constant 0 : index
    %get3A_603 = arith.constant 0 : index
    %get3A_604 = vector.load %arg8[%get3A_600, %get3A_601, %get3A_602, %get3A_603] : memref<2x9x64x32xf32, #tpu.memory_space<vmem>>, vector<1x1x64x32xf32>
    %get3A_605 = vector.shape_cast %get3A_604 : vector<1x1x64x32xf32> to vector<64x32xf32>
    %dot_general3A_606 = arith.constant dense<0.000000e+00> : vector<3136x32xf32>
    %dot_general3A_607 = tpu.matmul %reshape3A_599, %get3A_605, %dot_general3A_606 {dimension_numbers = #tpu.dot_dimension_numbers<[1], [0], [0], [1], [0, 0, 1, 1], [], []>, transpose_lhs_hint = false} : vector<3136x64xf32>, vector<64x32xf32>, vector<3136x32xf32> -> vector<3136x32xf32>
    %add3A_608 = arith.addf %add3A_594, %dot_general3A_607 : vector<3136x32xf32>
    %get3A_609 = arith.constant 2 : index
    %get3A_610 = arith.constant 0 : index
    %get3A_611 = arith.constant 0 : index
    %get3A_612 = vector.load %arg20[%get3A_609, %get3A_610, %get3A_611] : memref<58x58x64xf32, #tpu.memory_space<vmem>>, vector<56x56x64xf32>
    %reshape3A_613 = vector.shape_cast %get3A_612 : vector<56x56x64xf32> to vector<3136x64xf32>
    %get3A_614 = arith.constant 1 : index
    %get3A_615 = arith.constant 6 : index
    %get3A_616 = arith.constant 0 : index
    %get3A_617 = arith.constant 0 : index
    %get3A_618 = vector.load %arg8[%get3A_614, %get3A_615, %get3A_616, %get3A_617] : memref<2x9x64x32xf32, #tpu.memory_space<vmem>>, vector<1x1x64x32xf32>
    %get3A_619 = vector.shape_cast %get3A_618 : vector<1x1x64x32xf32> to vector<64x32xf32>
    %dot_general3A_620 = arith.constant dense<0.000000e+00> : vector<3136x32xf32>
    %dot_general3A_621 = tpu.matmul %reshape3A_613, %get3A_619, %dot_general3A_620 {dimension_numbers = #tpu.dot_dimension_numbers<[1], [0], [0], [1], [0, 0, 1, 1], [], []>, transpose_lhs_hint = false} : vector<3136x64xf32>, vector<64x32xf32>, vector<3136x32xf32> -> vector<3136x32xf32>
    %add3A_622 = arith.addf %add3A_608, %dot_general3A_621 : vector<3136x32xf32>
    %get3A_623 = arith.constant 2 : index
    %get3A_624 = arith.constant 1 : index
    %get3A_625 = arith.constant 0 : index
    %get3A_626 = vector.load %arg20[%get3A_623, %get3A_624, %get3A_625] : memref<58x58x64xf32, #tpu.memory_space<vmem>>, vector<56x56x64xf32>
    %reshape3A_627 = vector.shape_cast %get3A_626 : vector<56x56x64xf32> to vector<3136x64xf32>
    %get3A_628 = arith.constant 1 : index
    %get3A_629 = arith.constant 7 : index
    %get3A_630 = arith.constant 0 : index
    %get3A_631 = arith.constant 0 : index
    %get3A_632 = vector.load %arg8[%get3A_628, %get3A_629, %get3A_630, %get3A_631] : memref<2x9x64x32xf32, #tpu.memory_space<vmem>>, vector<1x1x64x32xf32>
    %get3A_633 = vector.shape_cast %get3A_632 : vector<1x1x64x32xf32> to vector<64x32xf32>
    %dot_general3A_634 = arith.constant dense<0.000000e+00> : vector<3136x32xf32>
    %dot_general3A_635 = tpu.matmul %reshape3A_627, %get3A_633, %dot_general3A_634 {dimension_numbers = #tpu.dot_dimension_numbers<[1], [0], [0], [1], [0, 0, 1, 1], [], []>, transpose_lhs_hint = false} : vector<3136x64xf32>, vector<64x32xf32>, vector<3136x32xf32> -> vector<3136x32xf32>
    %add3A_636 = arith.addf %add3A_622, %dot_general3A_635 : vector<3136x32xf32>
    %get3A_637 = arith.constant 2 : index
    %get3A_638 = arith.constant 2 : index
    %get3A_639 = arith.constant 0 : index
    %get3A_640 = vector.load %arg20[%get3A_637, %get3A_638, %get3A_639] : memref<58x58x64xf32, #tpu.memory_space<vmem>>, vector<56x56x64xf32>
    %reshape3A_641 = vector.shape_cast %get3A_640 : vector<56x56x64xf32> to vector<3136x64xf32>
    %get3A_642 = arith.constant 1 : index
    %get3A_643 = arith.constant 8 : index
    %get3A_644 = arith.constant 0 : index
    %get3A_645 = arith.constant 0 : index
    %get3A_646 = vector.load %arg8[%get3A_642, %get3A_643, %get3A_644, %get3A_645] : memref<2x9x64x32xf32, #tpu.memory_space<vmem>>, vector<1x1x64x32xf32>
    %get3A_647 = vector.shape_cast %get3A_646 : vector<1x1x64x32xf32> to vector<64x32xf32>
    %dot_general3A_648 = arith.constant dense<0.000000e+00> : vector<3136x32xf32>
    %dot_general3A_649 = tpu.matmul %reshape3A_641, %get3A_647, %dot_general3A_648 {dimension_numbers = #tpu.dot_dimension_numbers<[1], [0], [0], [1], [0, 0, 1, 1], [], []>, transpose_lhs_hint = false} : vector<3136x64xf32>, vector<64x32xf32>, vector<3136x32xf32> -> vector<3136x32xf32>
    %add3A_650 = arith.addf %add3A_636, %dot_general3A_649 : vector<3136x32xf32>
    %get3A_651 = arith.constant 1 : index
    %get3A_652 = arith.constant 0 : index
    %get3A_653 = arith.constant 0 : index
    %get3A_654 = vector.load %arg9[%get3A_651, %get3A_652, %get3A_653] : memref<2x1x32xf32, #tpu.memory_space<vmem>>, vector<1x1x32xf32>
    %get3A_655 = vector.shape_cast %get3A_654 : vector<1x1x32xf32> to vector<1x32xf32>
    %add3A_656 = vector.broadcast %get3A_655 : vector<1x32xf32> to vector<3136x32xf32>
    %add3A_657 = arith.addf %add3A_650, %add3A_656 : vector<3136x32xf32>
    %max3A_658 = arith.constant 0.000000e+00 : f32
    %max3A_659 = vector.broadcast %max3A_658 : f32 to vector<3136x32xf32>
    %max3A_660 = arith.maximumf %add3A_657, %max3A_659 : vector<3136x32xf32>
    %get3A_661 = arith.constant 1 : index
    %get3A_662 = arith.constant 0 : index
    %get3A_663 = arith.constant 0 : index
    %get3A_664 = vector.load %arg10[%get3A_661, %get3A_662, %get3A_663] : memref<2x32x64xf32, #tpu.memory_space<vmem>>, vector<1x32x64xf32>
    %get3A_665 = vector.shape_cast %get3A_664 : vector<1x32x64xf32> to vector<32x64xf32>
    %dot_general3A_666 = arith.constant dense<0.000000e+00> : vector<3136x64xf32>
    %dot_general3A_667 = tpu.matmul %max3A_660, %get3A_665, %dot_general3A_666 {dimension_numbers = #tpu.dot_dimension_numbers<[1], [0], [0], [1], [0, 0, 1, 1], [], []>, transpose_lhs_hint = false} : vector<3136x32xf32>, vector<32x64xf32>, vector<3136x64xf32> -> vector<3136x64xf32>
    %get3A_668 = arith.constant 1 : index
    %get3A_669 = arith.constant 0 : index
    %get3A_670 = arith.constant 0 : index
    %get3A_671 = vector.load %arg11[%get3A_668, %get3A_669, %get3A_670] : memref<2x1x64xf32, #tpu.memory_space<vmem>>, vector<1x1x64xf32>
    %get3A_672 = vector.shape_cast %get3A_671 : vector<1x1x64xf32> to vector<1x64xf32>
    %add3A_673 = vector.broadcast %get3A_672 : vector<1x64xf32> to vector<3136x64xf32>
    %add3A_674 = arith.addf %dot_general3A_667, %add3A_673 : vector<3136x64xf32>
    %add3A_675 = arith.addf %add3A_511, %add3A_674 : vector<3136x64xf32>
    %max3A_676 = arith.constant 0.000000e+00 : f32
    %max3A_677 = vector.broadcast %max3A_676 : f32 to vector<3136x64xf32>
    %max3A_678 = arith.maximumf %add3A_675, %max3A_677 : vector<3136x64xf32>
    %get3A_679 = arith.constant 0 : index
    %get3A_680 = arith.constant 0 : index
    %get3A_681 = vector.load %arg12[%get3A_679, %get3A_680] : memref<64x64xf32, #tpu.memory_space<vmem>>, vector<64x64xf32>
    %dot_general3A_682 = arith.constant dense<0.000000e+00> : vector<3136x64xf32>
    %dot_general3A_683 = tpu.matmul %max3A_678, %get3A_681, %dot_general3A_682 {dimension_numbers = #tpu.dot_dimension_numbers<[1], [0], [0], [1], [0, 0, 1, 1], [], []>, transpose_lhs_hint = false} : vector<3136x64xf32>, vector<64x64xf32>, vector<3136x64xf32> -> vector<3136x64xf32>
    %get3A_684 = arith.constant 0 : index
    %get3A_685 = arith.constant 0 : index
    %get3A_686 = vector.load %arg13[%get3A_684, %get3A_685] : memref<1x64xf32, #tpu.memory_space<vmem>>, vector<1x64xf32>
    %add3A_687 = vector.broadcast %get3A_686 : vector<1x64xf32> to vector<3136x64xf32>
    %add3A_688 = arith.addf %dot_general3A_683, %add3A_687 : vector<3136x64xf32>
    %get3A_689 = arith.constant 0 : index
    %get3A_690 = arith.constant 0 : index
    %get3A_691 = vector.load %arg14[%get3A_689, %get3A_690] : memref<64x1024xf32, #tpu.memory_space<vmem>>, vector<64x1024xf32>
    %slice3A = vector.extract_strided_slice %add3A_688 {offsets = [0, 0], sizes = [784, 64], strides = [1, 1]} : vector<3136x64xf32> to vector<784x64xf32>
    %mul3A = arith.mulf %slice3A, %slice3A : vector<784x64xf32>
    %reduce_sum3A = arith.constant dense<0.000000e+00> : vector<784xf32>
    %reduce_sum3A_692 = vector.multi_reduction <add>, %mul3A, %reduce_sum3A [1] : vector<784x64xf32> to vector<784xf32>
    %broadcast_in_dim3A_693 = vector.shape_cast %reduce_sum3A_692 : vector<784xf32> to vector<784x1xf32>
    %dot_general3A_694 = arith.constant dense<0.000000e+00> : vector<784x1024xf32>
    %dot_general3A_695 = tpu.matmul %slice3A, %get3A_691, %dot_general3A_694 {dimension_numbers = #tpu.dot_dimension_numbers<[1], [0], [0], [1], [0, 0, 1, 1], [], []>, transpose_lhs_hint = false} : vector<784x64xf32>, vector<64x1024xf32>, vector<784x1024xf32> -> vector<784x1024xf32>
    %mul3A_696 = arith.constant 2.000000e+00 : f32
    %mul3A_697 = vector.broadcast %mul3A_696 : f32 to vector<784x1024xf32>
    %mul3A_698 = arith.mulf %mul3A_697, %dot_general3A_695 : vector<784x1024xf32>
    %sub3A = vector.broadcast %broadcast_in_dim3A_693 : vector<784x1xf32> to vector<784x1024xf32>
    %sub3A_699 = arith.subf %sub3A, %mul3A_698 : vector<784x1024xf32>
    %get3A_700 = arith.constant 0 : index
    %get3A_701 = arith.constant 0 : index
    %get3A_702 = vector.load %arg15[%get3A_700, %get3A_701] : memref<1x1024xf32, #tpu.memory_space<vmem>>, vector<1x1024xf32>
    %add3A_703 = vector.broadcast %get3A_702 : vector<1x1024xf32> to vector<784x1024xf32>
    %add3A_704 = arith.addf %sub3A_699, %add3A_703 : vector<784x1024xf32>
    %reduce_min3A = arith.constant dense<0x7F800000> : vector<784xf32>
    %reduce_min3A_705 = vector.multi_reduction <minimumf>, %add3A_704, %reduce_min3A [1] : vector<784x1024xf32> to vector<784xf32>
    %broadcast_in_dim3A_706 = vector.shape_cast %reduce_min3A_705 : vector<784xf32> to vector<784x1xf32>
    %iota3A = tpu.iota {dimensions = array<i32: 1>} : vector<784x1024xi32>
    %le3A = vector.broadcast %broadcast_in_dim3A_706 : vector<784x1xf32> to vector<784x1024xf32>
    %le3A_707 = arith.cmpf ole, %add3A_704, %le3A : vector<784x1024xf32>
    %jit3A = arith.constant 1073741824 : i32
    %broadcast_in_dim3A_708 = vector.broadcast %jit3A : i32 to vector<784x1024xi32>
    %select_n3A = arith.select %le3A_707, %iota3A, %broadcast_in_dim3A_708 : vector<784x1024xi1>, vector<784x1024xi32>
    %reduce_min3A_709 = arith.constant dense<2147483647> : vector<784xi32>
    %reduce_min3A_710 = vector.multi_reduction <minsi>, %select_n3A, %reduce_min3A_709 [1] : vector<784x1024xi32> to vector<784xi32>
    %swap3A_711 = arith.constant 0 : index
    %swap3A_712 = arith.constant 0 : index
    %swap3A_713 = arith.constant 0 : index
    %swap3A_714 = vector.load %arg16[%swap3A_711, %swap3A_712, %swap3A_713] : memref<1x1x3136xi32, #tpu.memory_space<vmem>>, vector<1x1x784xi32>
    %swap3A_715 = vector.shape_cast %swap3A_714 : vector<1x1x784xi32> to vector<784xi32>
    %swap3A_716 = vector.shape_cast %reduce_min3A_710 : vector<784xi32> to vector<1x1x784xi32>
    tpu.vector_store %arg16[%swap3A_711, %swap3A_712, %swap3A_713], %swap3A_716 {strides = array<i32>} : memref<1x1x3136xi32, #tpu.memory_space<vmem>>, vector<1x1x784xi32>,
    %squeeze3A = vector.shape_cast %broadcast_in_dim3A_706 : vector<784x1xf32> to vector<784xf32>
    %swap3A_717 = arith.constant 0 : index
    %swap3A_718 = arith.constant 0 : index
    %swap3A_719 = arith.constant 0 : index
    %swap3A_720 = vector.load %arg17[%swap3A_717, %swap3A_718, %swap3A_719] : memref<1x1x3136xf32, #tpu.memory_space<vmem>>, vector<1x1x784xf32>
    %swap3A_721 = vector.shape_cast %swap3A_720 : vector<1x1x784xf32> to vector<784xf32>
    %swap3A_722 = vector.shape_cast %squeeze3A : vector<784xf32> to vector<1x1x784xf32>
    tpu.vector_store %arg17[%swap3A_717, %swap3A_718, %swap3A_719], %swap3A_722 {strides = array<i32>} : memref<1x1x3136xf32, #tpu.memory_space<vmem>>, vector<1x1x784xf32>,
    %slice3A_723 = vector.extract_strided_slice %add3A_688 {offsets = [784, 0], sizes = [784, 64], strides = [1, 1]} : vector<3136x64xf32> to vector<784x64xf32>
    %mul3A_724 = arith.mulf %slice3A_723, %slice3A_723 : vector<784x64xf32>
    %reduce_sum3A_725 = arith.constant dense<0.000000e+00> : vector<784xf32>
    %reduce_sum3A_726 = vector.multi_reduction <add>, %mul3A_724, %reduce_sum3A_725 [1] : vector<784x64xf32> to vector<784xf32>
    %broadcast_in_dim3A_727 = vector.shape_cast %reduce_sum3A_726 : vector<784xf32> to vector<784x1xf32>
    %dot_general3A_728 = arith.constant dense<0.000000e+00> : vector<784x1024xf32>
    %dot_general3A_729 = tpu.matmul %slice3A_723, %get3A_691, %dot_general3A_728 {dimension_numbers = #tpu.dot_dimension_numbers<[1], [0], [0], [1], [0, 0, 1, 1], [], []>, transpose_lhs_hint = false} : vector<784x64xf32>, vector<64x1024xf32>, vector<784x1024xf32> -> vector<784x1024xf32>
    %mul3A_730 = arith.constant 2.000000e+00 : f32
    %mul3A_731 = vector.broadcast %mul3A_730 : f32 to vector<784x1024xf32>
    %mul3A_732 = arith.mulf %mul3A_731, %dot_general3A_729 : vector<784x1024xf32>
    %sub3A_733 = vector.broadcast %broadcast_in_dim3A_727 : vector<784x1xf32> to vector<784x1024xf32>
    %sub3A_734 = arith.subf %sub3A_733, %mul3A_732 : vector<784x1024xf32>
    %get3A_735 = arith.constant 0 : index
    %get3A_736 = arith.constant 0 : index
    %get3A_737 = vector.load %arg15[%get3A_735, %get3A_736] : memref<1x1024xf32, #tpu.memory_space<vmem>>, vector<1x1024xf32>
    %add3A_738 = vector.broadcast %get3A_737 : vector<1x1024xf32> to vector<784x1024xf32>
    %add3A_739 = arith.addf %sub3A_734, %add3A_738 : vector<784x1024xf32>
    %reduce_min3A_740 = arith.constant dense<0x7F800000> : vector<784xf32>
    %reduce_min3A_741 = vector.multi_reduction <minimumf>, %add3A_739, %reduce_min3A_740 [1] : vector<784x1024xf32> to vector<784xf32>
    %broadcast_in_dim3A_742 = vector.shape_cast %reduce_min3A_741 : vector<784xf32> to vector<784x1xf32>
    %iota3A_743 = tpu.iota {dimensions = array<i32: 1>} : vector<784x1024xi32>
    %le3A_744 = vector.broadcast %broadcast_in_dim3A_742 : vector<784x1xf32> to vector<784x1024xf32>
    %le3A_745 = arith.cmpf ole, %add3A_739, %le3A_744 : vector<784x1024xf32>
    %jit3A_746 = arith.constant 1073741824 : i32
    %broadcast_in_dim3A_747 = vector.broadcast %jit3A_746 : i32 to vector<784x1024xi32>
    %select_n3A_748 = arith.select %le3A_745, %iota3A_743, %broadcast_in_dim3A_747 : vector<784x1024xi1>, vector<784x1024xi32>
    %reduce_min3A_749 = arith.constant dense<2147483647> : vector<784xi32>
    %reduce_min3A_750 = vector.multi_reduction <minsi>, %select_n3A_748, %reduce_min3A_749 [1] : vector<784x1024xi32> to vector<784xi32>
    %swap3A_751 = arith.constant 0 : index
    %swap3A_752 = arith.constant 0 : index
    %swap3A_753 = arith.constant 784 : index
    %swap3A_754 = vector.load %arg16[%swap3A_751, %swap3A_752, %swap3A_753] : memref<1x1x3136xi32, #tpu.memory_space<vmem>>, vector<1x1x784xi32>
    %swap3A_755 = vector.shape_cast %swap3A_754 : vector<1x1x784xi32> to vector<784xi32>
    %swap3A_756 = vector.shape_cast %reduce_min3A_750 : vector<784xi32> to vector<1x1x784xi32>
    tpu.vector_store %arg16[%swap3A_751, %swap3A_752, %swap3A_753], %swap3A_756 {strides = array<i32>} : memref<1x1x3136xi32, #tpu.memory_space<vmem>>, vector<1x1x784xi32>,
    %squeeze3A_757 = vector.shape_cast %broadcast_in_dim3A_742 : vector<784x1xf32> to vector<784xf32>
    %swap3A_758 = arith.constant 0 : index
    %swap3A_759 = arith.constant 0 : index
    %swap3A_760 = arith.constant 784 : index
    %swap3A_761 = vector.load %arg17[%swap3A_758, %swap3A_759, %swap3A_760] : memref<1x1x3136xf32, #tpu.memory_space<vmem>>, vector<1x1x784xf32>
    %swap3A_762 = vector.shape_cast %swap3A_761 : vector<1x1x784xf32> to vector<784xf32>
    %swap3A_763 = vector.shape_cast %squeeze3A_757 : vector<784xf32> to vector<1x1x784xf32>
    tpu.vector_store %arg17[%swap3A_758, %swap3A_759, %swap3A_760], %swap3A_763 {strides = array<i32>} : memref<1x1x3136xf32, #tpu.memory_space<vmem>>, vector<1x1x784xf32>,
    %slice3A_764 = vector.extract_strided_slice %add3A_688 {offsets = [1568, 0], sizes = [784, 64], strides = [1, 1]} : vector<3136x64xf32> to vector<784x64xf32>
    %mul3A_765 = arith.mulf %slice3A_764, %slice3A_764 : vector<784x64xf32>
    %reduce_sum3A_766 = arith.constant dense<0.000000e+00> : vector<784xf32>
    %reduce_sum3A_767 = vector.multi_reduction <add>, %mul3A_765, %reduce_sum3A_766 [1] : vector<784x64xf32> to vector<784xf32>
    %broadcast_in_dim3A_768 = vector.shape_cast %reduce_sum3A_767 : vector<784xf32> to vector<784x1xf32>
    %dot_general3A_769 = arith.constant dense<0.000000e+00> : vector<784x1024xf32>
    %dot_general3A_770 = tpu.matmul %slice3A_764, %get3A_691, %dot_general3A_769 {dimension_numbers = #tpu.dot_dimension_numbers<[1], [0], [0], [1], [0, 0, 1, 1], [], []>, transpose_lhs_hint = false} : vector<784x64xf32>, vector<64x1024xf32>, vector<784x1024xf32> -> vector<784x1024xf32>
    %mul3A_771 = arith.constant 2.000000e+00 : f32
    %mul3A_772 = vector.broadcast %mul3A_771 : f32 to vector<784x1024xf32>
    %mul3A_773 = arith.mulf %mul3A_772, %dot_general3A_770 : vector<784x1024xf32>
    %sub3A_774 = vector.broadcast %broadcast_in_dim3A_768 : vector<784x1xf32> to vector<784x1024xf32>
    %sub3A_775 = arith.subf %sub3A_774, %mul3A_773 : vector<784x1024xf32>
    %get3A_776 = arith.constant 0 : index
    %get3A_777 = arith.constant 0 : index
    %get3A_778 = vector.load %arg15[%get3A_776, %get3A_777] : memref<1x1024xf32, #tpu.memory_space<vmem>>, vector<1x1024xf32>
    %add3A_779 = vector.broadcast %get3A_778 : vector<1x1024xf32> to vector<784x1024xf32>
    %add3A_780 = arith.addf %sub3A_775, %add3A_779 : vector<784x1024xf32>
    %reduce_min3A_781 = arith.constant dense<0x7F800000> : vector<784xf32>
    %reduce_min3A_782 = vector.multi_reduction <minimumf>, %add3A_780, %reduce_min3A_781 [1] : vector<784x1024xf32> to vector<784xf32>
    %broadcast_in_dim3A_783 = vector.shape_cast %reduce_min3A_782 : vector<784xf32> to vector<784x1xf32>
    %iota3A_784 = tpu.iota {dimensions = array<i32: 1>} : vector<784x1024xi32>
    %le3A_785 = vector.broadcast %broadcast_in_dim3A_783 : vector<784x1xf32> to vector<784x1024xf32>
    %le3A_786 = arith.cmpf ole, %add3A_780, %le3A_785 : vector<784x1024xf32>
    %jit3A_787 = arith.constant 1073741824 : i32
    %broadcast_in_dim3A_788 = vector.broadcast %jit3A_787 : i32 to vector<784x1024xi32>
    %select_n3A_789 = arith.select %le3A_786, %iota3A_784, %broadcast_in_dim3A_788 : vector<784x1024xi1>, vector<784x1024xi32>
    %reduce_min3A_790 = arith.constant dense<2147483647> : vector<784xi32>
    %reduce_min3A_791 = vector.multi_reduction <minsi>, %select_n3A_789, %reduce_min3A_790 [1] : vector<784x1024xi32> to vector<784xi32>
    %swap3A_792 = arith.constant 0 : index
    %swap3A_793 = arith.constant 0 : index
    %swap3A_794 = arith.constant 1568 : index
    %swap3A_795 = vector.load %arg16[%swap3A_792, %swap3A_793, %swap3A_794] : memref<1x1x3136xi32, #tpu.memory_space<vmem>>, vector<1x1x784xi32>
    %swap3A_796 = vector.shape_cast %swap3A_795 : vector<1x1x784xi32> to vector<784xi32>
    %swap3A_797 = vector.shape_cast %reduce_min3A_791 : vector<784xi32> to vector<1x1x784xi32>
    tpu.vector_store %arg16[%swap3A_792, %swap3A_793, %swap3A_794], %swap3A_797 {strides = array<i32>} : memref<1x1x3136xi32, #tpu.memory_space<vmem>>, vector<1x1x784xi32>,
    %squeeze3A_798 = vector.shape_cast %broadcast_in_dim3A_783 : vector<784x1xf32> to vector<784xf32>
    %swap3A_799 = arith.constant 0 : index
    %swap3A_800 = arith.constant 0 : index
    %swap3A_801 = arith.constant 1568 : index
    %swap3A_802 = vector.load %arg17[%swap3A_799, %swap3A_800, %swap3A_801] : memref<1x1x3136xf32, #tpu.memory_space<vmem>>, vector<1x1x784xf32>
    %swap3A_803 = vector.shape_cast %swap3A_802 : vector<1x1x784xf32> to vector<784xf32>
    %swap3A_804 = vector.shape_cast %squeeze3A_798 : vector<784xf32> to vector<1x1x784xf32>
    tpu.vector_store %arg17[%swap3A_799, %swap3A_800, %swap3A_801], %swap3A_804 {strides = array<i32>} : memref<1x1x3136xf32, #tpu.memory_space<vmem>>, vector<1x1x784xf32>,
    %slice3A_805 = vector.extract_strided_slice %add3A_688 {offsets = [2352, 0], sizes = [784, 64], strides = [1, 1]} : vector<3136x64xf32> to vector<784x64xf32>
    %mul3A_806 = arith.mulf %slice3A_805, %slice3A_805 : vector<784x64xf32>
    %reduce_sum3A_807 = arith.constant dense<0.000000e+00> : vector<784xf32>
    %reduce_sum3A_808 = vector.multi_reduction <add>, %mul3A_806, %reduce_sum3A_807 [1] : vector<784x64xf32> to vector<784xf32>
    %broadcast_in_dim3A_809 = vector.shape_cast %reduce_sum3A_808 : vector<784xf32> to vector<784x1xf32>
    %dot_general3A_810 = arith.constant dense<0.000000e+00> : vector<784x1024xf32>
    %dot_general3A_811 = tpu.matmul %slice3A_805, %get3A_691, %dot_general3A_810 {dimension_numbers = #tpu.dot_dimension_numbers<[1], [0], [0], [1], [0, 0, 1, 1], [], []>, transpose_lhs_hint = false} : vector<784x64xf32>, vector<64x1024xf32>, vector<784x1024xf32> -> vector<784x1024xf32>
    %mul3A_812 = arith.constant 2.000000e+00 : f32
    %mul3A_813 = vector.broadcast %mul3A_812 : f32 to vector<784x1024xf32>
    %mul3A_814 = arith.mulf %mul3A_813, %dot_general3A_811 : vector<784x1024xf32>
    %sub3A_815 = vector.broadcast %broadcast_in_dim3A_809 : vector<784x1xf32> to vector<784x1024xf32>
    %sub3A_816 = arith.subf %sub3A_815, %mul3A_814 : vector<784x1024xf32>
    %get3A_817 = arith.constant 0 : index
    %get3A_818 = arith.constant 0 : index
    %get3A_819 = vector.load %arg15[%get3A_817, %get3A_818] : memref<1x1024xf32, #tpu.memory_space<vmem>>, vector<1x1024xf32>
    %add3A_820 = vector.broadcast %get3A_819 : vector<1x1024xf32> to vector<784x1024xf32>
    %add3A_821 = arith.addf %sub3A_816, %add3A_820 : vector<784x1024xf32>
    %reduce_min3A_822 = arith.constant dense<0x7F800000> : vector<784xf32>
    %reduce_min3A_823 = vector.multi_reduction <minimumf>, %add3A_821, %reduce_min3A_822 [1] : vector<784x1024xf32> to vector<784xf32>
    %broadcast_in_dim3A_824 = vector.shape_cast %reduce_min3A_823 : vector<784xf32> to vector<784x1xf32>
    %iota3A_825 = tpu.iota {dimensions = array<i32: 1>} : vector<784x1024xi32>
    %le3A_826 = vector.broadcast %broadcast_in_dim3A_824 : vector<784x1xf32> to vector<784x1024xf32>
    %le3A_827 = arith.cmpf ole, %add3A_821, %le3A_826 : vector<784x1024xf32>
    %jit3A_828 = arith.constant 1073741824 : i32
    %broadcast_in_dim3A_829 = vector.broadcast %jit3A_828 : i32 to vector<784x1024xi32>
    %select_n3A_830 = arith.select %le3A_827, %iota3A_825, %broadcast_in_dim3A_829 : vector<784x1024xi1>, vector<784x1024xi32>
    %reduce_min3A_831 = arith.constant dense<2147483647> : vector<784xi32>
    %reduce_min3A_832 = vector.multi_reduction <minsi>, %select_n3A_830, %reduce_min3A_831 [1] : vector<784x1024xi32> to vector<784xi32>
    %swap3A_833 = arith.constant 0 : index
    %swap3A_834 = arith.constant 0 : index
    %swap3A_835 = arith.constant 2352 : index
    %swap3A_836 = vector.load %arg16[%swap3A_833, %swap3A_834, %swap3A_835] : memref<1x1x3136xi32, #tpu.memory_space<vmem>>, vector<1x1x784xi32>
    %swap3A_837 = vector.shape_cast %swap3A_836 : vector<1x1x784xi32> to vector<784xi32>
    %swap3A_838 = vector.shape_cast %reduce_min3A_832 : vector<784xi32> to vector<1x1x784xi32>
    tpu.vector_store %arg16[%swap3A_833, %swap3A_834, %swap3A_835], %swap3A_838 {strides = array<i32>} : memref<1x1x3136xi32, #tpu.memory_space<vmem>>, vector<1x1x784xi32>,
    %squeeze3A_839 = vector.shape_cast %broadcast_in_dim3A_824 : vector<784x1xf32> to vector<784xf32>
    %swap3A_840 = arith.constant 0 : index
    %swap3A_841 = arith.constant 0 : index
    %swap3A_842 = arith.constant 2352 : index
    %swap3A_843 = vector.load %arg17[%swap3A_840, %swap3A_841, %swap3A_842] : memref<1x1x3136xf32, #tpu.memory_space<vmem>>, vector<1x1x784xf32>
    %swap3A_844 = vector.shape_cast %swap3A_843 : vector<1x1x784xf32> to vector<784xf32>
    %swap3A_845 = vector.shape_cast %squeeze3A_839 : vector<784xf32> to vector<1x1x784xf32>
    tpu.vector_store %arg17[%swap3A_840, %swap3A_841, %swap3A_842], %swap3A_845 {strides = array<i32>} : memref<1x1x3136xf32, #tpu.memory_space<vmem>>, vector<1x1x784xf32>,
    return
  }
  func.func @transform_0(%arg0: i32) -> (i32, i32, i32, i32) {
    %c0_i32 = arith.constant 0 : i32
    %c0_i32_0 = arith.constant 0 : i32
    %c0_i32_1 = arith.constant 0 : i32
    %c0_i32_2 = arith.constant 0 : i32
    return %arg0, %c0_i32, %c0_i32_0, %c0_i32_1 : i32, i32, i32, i32
  }
  func.func @transform_1(%arg0: i32) -> (i32, i32, i32) {
    %c0_i32 = arith.constant 0 : i32
    %c0_i32_0 = arith.constant 0 : i32
    %c0_i32_1 = arith.constant 0 : i32
    %c0_i32_2 = arith.constant 0 : i32
    return %c0_i32, %c0_i32_0, %c0_i32_1 : i32, i32, i32
  }
  func.func @transform_2(%arg0: i32) -> (i32, i32) {
    %c0_i32 = arith.constant 0 : i32
    %c0_i32_0 = arith.constant 0 : i32
    %c0_i32_1 = arith.constant 0 : i32
    return %c0_i32, %c0_i32_0 : i32, i32
  }
  func.func @transform_3(%arg0: i32) -> (i32, i32, i32) {
    %c0_i32 = arith.constant 0 : i32
    %c0_i32_0 = arith.constant 0 : i32
    %c0_i32_1 = arith.constant 0 : i32
    %c0_i32_2 = arith.constant 0 : i32
    return %c0_i32, %c0_i32_0, %c0_i32_1 : i32, i32, i32
  }
  func.func @transform_4(%arg0: i32) -> (i32, i32) {
    %c0_i32 = arith.constant 0 : i32
    %c0_i32_0 = arith.constant 0 : i32
    %c0_i32_1 = arith.constant 0 : i32
    return %c0_i32, %c0_i32_0 : i32, i32
  }
  func.func @transform_5(%arg0: i32) -> (i32, i32, i32) {
    %c0_i32 = arith.constant 0 : i32
    %c0_i32_0 = arith.constant 0 : i32
    %c0_i32_1 = arith.constant 0 : i32
    %c0_i32_2 = arith.constant 0 : i32
    return %c0_i32, %c0_i32_0, %c0_i32_1 : i32, i32, i32
  }
  func.func @transform_6(%arg0: i32) -> (i32, i32) {
    %c0_i32 = arith.constant 0 : i32
    %c0_i32_0 = arith.constant 0 : i32
    %c0_i32_1 = arith.constant 0 : i32
    return %c0_i32, %c0_i32_0 : i32, i32
  }
  func.func @transform_7(%arg0: i32) -> (i32, i32, i32, i32) {
    %c0_i32 = arith.constant 0 : i32
    %c0_i32_0 = arith.constant 0 : i32
    %c0_i32_1 = arith.constant 0 : i32
    %c0_i32_2 = arith.constant 0 : i32
    %c0_i32_3 = arith.constant 0 : i32
    return %c0_i32, %c0_i32_0, %c0_i32_1, %c0_i32_2 : i32, i32, i32, i32
  }
  func.func @transform_8(%arg0: i32) -> (i32, i32, i32) {
    %c0_i32 = arith.constant 0 : i32
    %c0_i32_0 = arith.constant 0 : i32
    %c0_i32_1 = arith.constant 0 : i32
    %c0_i32_2 = arith.constant 0 : i32
    return %c0_i32, %c0_i32_0, %c0_i32_1 : i32, i32, i32
  }
  func.func @transform_9(%arg0: i32) -> (i32, i32, i32) {
    %c0_i32 = arith.constant 0 : i32
    %c0_i32_0 = arith.constant 0 : i32
    %c0_i32_1 = arith.constant 0 : i32
    %c0_i32_2 = arith.constant 0 : i32
    return %c0_i32, %c0_i32_0, %c0_i32_1 : i32, i32, i32
  }
  func.func @transform_10(%arg0: i32) -> (i32, i32, i32) {
    %c0_i32 = arith.constant 0 : i32
    %c0_i32_0 = arith.constant 0 : i32
    %c0_i32_1 = arith.constant 0 : i32
    %c0_i32_2 = arith.constant 0 : i32
    return %c0_i32, %c0_i32_0, %c0_i32_1 : i32, i32, i32
  }
  func.func @transform_11(%arg0: i32) -> (i32, i32) {
    %c0_i32 = arith.constant 0 : i32
    %c0_i32_0 = arith.constant 0 : i32
    %c0_i32_1 = arith.constant 0 : i32
    return %c0_i32, %c0_i32_0 : i32, i32
  }
  func.func @transform_12(%arg0: i32) -> (i32, i32) {
    %c0_i32 = arith.constant 0 : i32
    %c0_i32_0 = arith.constant 0 : i32
    %c0_i32_1 = arith.constant 0 : i32
    return %c0_i32, %c0_i32_0 : i32, i32
  }
  func.func @transform_13(%arg0: i32) -> (i32, i32) {
    %c0_i32 = arith.constant 0 : i32
    %c0_i32_0 = arith.constant 0 : i32
    %c0_i32_1 = arith.constant 0 : i32
    return %c0_i32, %c0_i32_0 : i32, i32
  }
  func.func @transform_14(%arg0: i32) -> (i32, i32) {
    %c0_i32 = arith.constant 0 : i32
    %c0_i32_0 = arith.constant 0 : i32
    %c0_i32_1 = arith.constant 0 : i32
    return %c0_i32, %c0_i32_0 : i32, i32
  }
  func.func @transform_15(%arg0: i32) -> (i32, i32, i32) {
    %c0_i32 = arith.constant 0 : i32
    %c0_i32_0 = arith.constant 0 : i32
    %c0_i32_1 = arith.constant 0 : i32
    return %arg0, %c0_i32, %c0_i32_0 : i32, i32, i32
  }
  func.func @transform_16(%arg0: i32) -> (i32, i32, i32) {
    %c0_i32 = arith.constant 0 : i32
    %c0_i32_0 = arith.constant 0 : i32
    %c0_i32_1 = arith.constant 0 : i32
    return %arg0, %c0_i32, %c0_i32_0 : i32, i32, i32
  }
}

module attributes {stable_mosaic.version = 14 : i64} {
  func.func @_dec_body(%arg0: i32, %arg1: memref<1x3136x128xf32, #tpu.memory_space<vmem>>, %arg2: memref<1x1x3136xf32, #tpu.memory_space<vmem>>, %arg3: memref<1x1x3136xi32, #tpu.memory_space<vmem>>, %arg4: memref<9x64x64xf32, #tpu.memory_space<vmem>>, %arg5: memref<1x64xf32, #tpu.memory_space<vmem>>, %arg6: memref<2x9x64x32xf32, #tpu.memory_space<vmem>>, %arg7: memref<2x1x32xf32, #tpu.memory_space<vmem>>, %arg8: memref<2x32x64xf32, #tpu.memory_space<vmem>>, %arg9: memref<2x1x64xf32, #tpu.memory_space<vmem>>, %arg10: memref<9x64x128xf32, #tpu.memory_space<vmem>>, %arg11: memref<1x128xf32, #tpu.memory_space<vmem>>, %arg12: memref<9x128x48xf32, #tpu.memory_space<vmem>>, %arg13: memref<1x48xf32, #tpu.memory_space<vmem>>, %arg14: memref<1x56x56x48xf32, #tpu.memory_space<vmem>>, %arg15: memref<1x1xf32, #tpu.memory_space<vmem>>, %arg16: memref<1x1xf32, #tpu.memory_space<vmem>>, %arg17: memref<58x58x64xf32, #tpu.memory_space<vmem>>, %arg18: memref<58x58x64xf32, #tpu.memory_space<vmem>>, %arg19: memref<58x58x128xf32, #tpu.memory_space<vmem>>, %arg20: memref<1x1024xf32, #tpu.memory_space<vmem>>) attributes {dimension_semantics = [#tpu.dimension_semantics<arbitrary>], iteration_bounds = array<i64: 8>, scalar_prefetch = 0 : i64, scratch_operands = 4 : i64, tpu.core_type = #tpu.core_type<tc>, window_params = [{transform_indices = @transform_0, window_bounds = array<i64: 1, 3136, 128>}, {transform_indices = @transform_1, window_bounds = array<i64: 1, 1, 3136>}, {transform_indices = @transform_2, window_bounds = array<i64: 1, 1, 3136>}, {pipeline_mode = #tpu.pipeline_mode<synchronous>, transform_indices = @transform_3, window_bounds = array<i64: 9, 64, 64>}, {pipeline_mode = #tpu.pipeline_mode<synchronous>, transform_indices = @transform_4, window_bounds = array<i64: 1, 64>}, {pipeline_mode = #tpu.pipeline_mode<synchronous>, transform_indices = @transform_5, window_bounds = array<i64: 2, 9, 64, 32>}, {pipeline_mode = #tpu.pipeline_mode<synchronous>, transform_indices = @transform_6, window_bounds = array<i64: 2, 1, 32>}, {pipeline_mode = #tpu.pipeline_mode<synchronous>, transform_indices = @transform_7, window_bounds = array<i64: 2, 32, 64>}, {pipeline_mode = #tpu.pipeline_mode<synchronous>, transform_indices = @transform_8, window_bounds = array<i64: 2, 1, 64>}, {pipeline_mode = #tpu.pipeline_mode<synchronous>, transform_indices = @transform_9, window_bounds = array<i64: 9, 64, 128>}, {pipeline_mode = #tpu.pipeline_mode<synchronous>, transform_indices = @transform_10, window_bounds = array<i64: 1, 128>}, {pipeline_mode = #tpu.pipeline_mode<synchronous>, transform_indices = @transform_11, window_bounds = array<i64: 9, 128, 48>}, {pipeline_mode = #tpu.pipeline_mode<synchronous>, transform_indices = @transform_12, window_bounds = array<i64: 1, 48>}, {transform_indices = @transform_13, window_bounds = array<i64: 1, 56, 56, 48>}, {pipeline_mode = #tpu.pipeline_mode<synchronous>, transform_indices = @transform_14, window_bounds = array<i64: 1, 1>}, {pipeline_mode = #tpu.pipeline_mode<synchronous>, transform_indices = @transform_15, window_bounds = array<i64: 1, 1>}]} {
    %broadcast_in_dim3A = arith.constant 0.000000e+00 : f32
    %broadcast_in_dim3A_0 = vector.broadcast %broadcast_in_dim3A : f32 to vector<58x58x64xf32>
    %swap3A = arith.constant 0 : index
    %swap3A_1 = arith.constant 0 : index
    %swap3A_2 = arith.constant 0 : index
    %swap3A_3 = vector.load %arg17[%swap3A, %swap3A_1, %swap3A_2] : memref<58x58x64xf32, #tpu.memory_space<vmem>>, vector<58x58x64xf32>
    tpu.vector_store %arg17[%swap3A, %swap3A_1, %swap3A_2], %broadcast_in_dim3A_0 {strides = array<i32>} : memref<58x58x64xf32, #tpu.memory_space<vmem>>, vector<58x58x64xf32>,
    %get3A = arith.constant 0 : index
    %get3A_4 = arith.constant 0 : index
    %get3A_5 = arith.constant 0 : index
    %get3A_6 = vector.load %arg1[%get3A, %get3A_4, %get3A_5] : memref<1x3136x128xf32, #tpu.memory_space<vmem>>, vector<1x3136x64xf32>
    %get3A_7 = vector.shape_cast %get3A_6 : vector<1x3136x64xf32> to vector<3136x64xf32>
    %reshape3A = vector.shape_cast %get3A_7 : vector<3136x64xf32> to vector<56x56x64xf32>
    %swap3A_8 = arith.constant 1 : index
    %swap3A_9 = arith.constant 1 : index
    %swap3A_10 = arith.constant 0 : index
    %swap3A_11 = vector.load %arg17[%swap3A_8, %swap3A_9, %swap3A_10] : memref<58x58x64xf32, #tpu.memory_space<vmem>>, vector<56x56x64xf32>
    tpu.vector_store %arg17[%swap3A_8, %swap3A_9, %swap3A_10], %reshape3A {strides = array<i32>} : memref<58x58x64xf32, #tpu.memory_space<vmem>>, vector<56x56x64xf32>,
    %get3A_12 = arith.constant 0 : index
    %get3A_13 = arith.constant 0 : index
    %get3A_14 = arith.constant 0 : index
    %get3A_15 = vector.load %arg17[%get3A_12, %get3A_13, %get3A_14] : memref<58x58x64xf32, #tpu.memory_space<vmem>>, vector<56x56x64xf32>
    %reshape3A_16 = vector.shape_cast %get3A_15 : vector<56x56x64xf32> to vector<3136x64xf32>
    %get3A_17 = arith.constant 0 : index
    %get3A_18 = arith.constant 0 : index
    %get3A_19 = arith.constant 0 : index
    %get3A_20 = vector.load %arg4[%get3A_17, %get3A_18, %get3A_19] : memref<9x64x64xf32, #tpu.memory_space<vmem>>, vector<1x64x64xf32>
    %get3A_21 = vector.shape_cast %get3A_20 : vector<1x64x64xf32> to vector<64x64xf32>
    %dot_general3A = arith.constant dense<0.000000e+00> : vector<3136x64xf32>
    %dot_general3A_22 = tpu.matmul %reshape3A_16, %get3A_21, %dot_general3A {dimension_numbers = #tpu.dot_dimension_numbers<[1], [0], [0], [1], [0, 0, 1, 1], [], []>, transpose_lhs_hint = false} : vector<3136x64xf32>, vector<64x64xf32>, vector<3136x64xf32> -> vector<3136x64xf32>
    %get3A_23 = arith.constant 0 : index
    %get3A_24 = arith.constant 1 : index
    %get3A_25 = arith.constant 0 : index
    %get3A_26 = vector.load %arg17[%get3A_23, %get3A_24, %get3A_25] : memref<58x58x64xf32, #tpu.memory_space<vmem>>, vector<56x56x64xf32>
    %reshape3A_27 = vector.shape_cast %get3A_26 : vector<56x56x64xf32> to vector<3136x64xf32>
    %get3A_28 = arith.constant 1 : index
    %get3A_29 = arith.constant 0 : index
    %get3A_30 = arith.constant 0 : index
    %get3A_31 = vector.load %arg4[%get3A_28, %get3A_29, %get3A_30] : memref<9x64x64xf32, #tpu.memory_space<vmem>>, vector<1x64x64xf32>
    %get3A_32 = vector.shape_cast %get3A_31 : vector<1x64x64xf32> to vector<64x64xf32>
    %dot_general3A_33 = arith.constant dense<0.000000e+00> : vector<3136x64xf32>
    %dot_general3A_34 = tpu.matmul %reshape3A_27, %get3A_32, %dot_general3A_33 {dimension_numbers = #tpu.dot_dimension_numbers<[1], [0], [0], [1], [0, 0, 1, 1], [], []>, transpose_lhs_hint = false} : vector<3136x64xf32>, vector<64x64xf32>, vector<3136x64xf32> -> vector<3136x64xf32>
    %add3A = arith.addf %dot_general3A_22, %dot_general3A_34 : vector<3136x64xf32>
    %get3A_35 = arith.constant 0 : index
    %get3A_36 = arith.constant 2 : index
    %get3A_37 = arith.constant 0 : index
    %get3A_38 = vector.load %arg17[%get3A_35, %get3A_36, %get3A_37] : memref<58x58x64xf32, #tpu.memory_space<vmem>>, vector<56x56x64xf32>
    %reshape3A_39 = vector.shape_cast %get3A_38 : vector<56x56x64xf32> to vector<3136x64xf32>
    %get3A_40 = arith.constant 2 : index
    %get3A_41 = arith.constant 0 : index
    %get3A_42 = arith.constant 0 : index
    %get3A_43 = vector.load %arg4[%get3A_40, %get3A_41, %get3A_42] : memref<9x64x64xf32, #tpu.memory_space<vmem>>, vector<1x64x64xf32>
    %get3A_44 = vector.shape_cast %get3A_43 : vector<1x64x64xf32> to vector<64x64xf32>
    %dot_general3A_45 = arith.constant dense<0.000000e+00> : vector<3136x64xf32>
    %dot_general3A_46 = tpu.matmul %reshape3A_39, %get3A_44, %dot_general3A_45 {dimension_numbers = #tpu.dot_dimension_numbers<[1], [0], [0], [1], [0, 0, 1, 1], [], []>, transpose_lhs_hint = false} : vector<3136x64xf32>, vector<64x64xf32>, vector<3136x64xf32> -> vector<3136x64xf32>
    %add3A_47 = arith.addf %add3A, %dot_general3A_46 : vector<3136x64xf32>
    %get3A_48 = arith.constant 1 : index
    %get3A_49 = arith.constant 0 : index
    %get3A_50 = arith.constant 0 : index
    %get3A_51 = vector.load %arg17[%get3A_48, %get3A_49, %get3A_50] : memref<58x58x64xf32, #tpu.memory_space<vmem>>, vector<56x56x64xf32>
    %reshape3A_52 = vector.shape_cast %get3A_51 : vector<56x56x64xf32> to vector<3136x64xf32>
    %get3A_53 = arith.constant 3 : index
    %get3A_54 = arith.constant 0 : index
    %get3A_55 = arith.constant 0 : index
    %get3A_56 = vector.load %arg4[%get3A_53, %get3A_54, %get3A_55] : memref<9x64x64xf32, #tpu.memory_space<vmem>>, vector<1x64x64xf32>
    %get3A_57 = vector.shape_cast %get3A_56 : vector<1x64x64xf32> to vector<64x64xf32>
    %dot_general3A_58 = arith.constant dense<0.000000e+00> : vector<3136x64xf32>
    %dot_general3A_59 = tpu.matmul %reshape3A_52, %get3A_57, %dot_general3A_58 {dimension_numbers = #tpu.dot_dimension_numbers<[1], [0], [0], [1], [0, 0, 1, 1], [], []>, transpose_lhs_hint = false} : vector<3136x64xf32>, vector<64x64xf32>, vector<3136x64xf32> -> vector<3136x64xf32>
    %add3A_60 = arith.addf %add3A_47, %dot_general3A_59 : vector<3136x64xf32>
    %get3A_61 = arith.constant 1 : index
    %get3A_62 = arith.constant 1 : index
    %get3A_63 = arith.constant 0 : index
    %get3A_64 = vector.load %arg17[%get3A_61, %get3A_62, %get3A_63] : memref<58x58x64xf32, #tpu.memory_space<vmem>>, vector<56x56x64xf32>
    %reshape3A_65 = vector.shape_cast %get3A_64 : vector<56x56x64xf32> to vector<3136x64xf32>
    %get3A_66 = arith.constant 4 : index
    %get3A_67 = arith.constant 0 : index
    %get3A_68 = arith.constant 0 : index
    %get3A_69 = vector.load %arg4[%get3A_66, %get3A_67, %get3A_68] : memref<9x64x64xf32, #tpu.memory_space<vmem>>, vector<1x64x64xf32>
    %get3A_70 = vector.shape_cast %get3A_69 : vector<1x64x64xf32> to vector<64x64xf32>
    %dot_general3A_71 = arith.constant dense<0.000000e+00> : vector<3136x64xf32>
    %dot_general3A_72 = tpu.matmul %reshape3A_65, %get3A_70, %dot_general3A_71 {dimension_numbers = #tpu.dot_dimension_numbers<[1], [0], [0], [1], [0, 0, 1, 1], [], []>, transpose_lhs_hint = false} : vector<3136x64xf32>, vector<64x64xf32>, vector<3136x64xf32> -> vector<3136x64xf32>
    %add3A_73 = arith.addf %add3A_60, %dot_general3A_72 : vector<3136x64xf32>
    %get3A_74 = arith.constant 1 : index
    %get3A_75 = arith.constant 2 : index
    %get3A_76 = arith.constant 0 : index
    %get3A_77 = vector.load %arg17[%get3A_74, %get3A_75, %get3A_76] : memref<58x58x64xf32, #tpu.memory_space<vmem>>, vector<56x56x64xf32>
    %reshape3A_78 = vector.shape_cast %get3A_77 : vector<56x56x64xf32> to vector<3136x64xf32>
    %get3A_79 = arith.constant 5 : index
    %get3A_80 = arith.constant 0 : index
    %get3A_81 = arith.constant 0 : index
    %get3A_82 = vector.load %arg4[%get3A_79, %get3A_80, %get3A_81] : memref<9x64x64xf32, #tpu.memory_space<vmem>>, vector<1x64x64xf32>
    %get3A_83 = vector.shape_cast %get3A_82 : vector<1x64x64xf32> to vector<64x64xf32>
    %dot_general3A_84 = arith.constant dense<0.000000e+00> : vector<3136x64xf32>
    %dot_general3A_85 = tpu.matmul %reshape3A_78, %get3A_83, %dot_general3A_84 {dimension_numbers = #tpu.dot_dimension_numbers<[1], [0], [0], [1], [0, 0, 1, 1], [], []>, transpose_lhs_hint = false} : vector<3136x64xf32>, vector<64x64xf32>, vector<3136x64xf32> -> vector<3136x64xf32>
    %add3A_86 = arith.addf %add3A_73, %dot_general3A_85 : vector<3136x64xf32>
    %get3A_87 = arith.constant 2 : index
    %get3A_88 = arith.constant 0 : index
    %get3A_89 = arith.constant 0 : index
    %get3A_90 = vector.load %arg17[%get3A_87, %get3A_88, %get3A_89] : memref<58x58x64xf32, #tpu.memory_space<vmem>>, vector<56x56x64xf32>
    %reshape3A_91 = vector.shape_cast %get3A_90 : vector<56x56x64xf32> to vector<3136x64xf32>
    %get3A_92 = arith.constant 6 : index
    %get3A_93 = arith.constant 0 : index
    %get3A_94 = arith.constant 0 : index
    %get3A_95 = vector.load %arg4[%get3A_92, %get3A_93, %get3A_94] : memref<9x64x64xf32, #tpu.memory_space<vmem>>, vector<1x64x64xf32>
    %get3A_96 = vector.shape_cast %get3A_95 : vector<1x64x64xf32> to vector<64x64xf32>
    %dot_general3A_97 = arith.constant dense<0.000000e+00> : vector<3136x64xf32>
    %dot_general3A_98 = tpu.matmul %reshape3A_91, %get3A_96, %dot_general3A_97 {dimension_numbers = #tpu.dot_dimension_numbers<[1], [0], [0], [1], [0, 0, 1, 1], [], []>, transpose_lhs_hint = false} : vector<3136x64xf32>, vector<64x64xf32>, vector<3136x64xf32> -> vector<3136x64xf32>
    %add3A_99 = arith.addf %add3A_86, %dot_general3A_98 : vector<3136x64xf32>
    %get3A_100 = arith.constant 2 : index
    %get3A_101 = arith.constant 1 : index
    %get3A_102 = arith.constant 0 : index
    %get3A_103 = vector.load %arg17[%get3A_100, %get3A_101, %get3A_102] : memref<58x58x64xf32, #tpu.memory_space<vmem>>, vector<56x56x64xf32>
    %reshape3A_104 = vector.shape_cast %get3A_103 : vector<56x56x64xf32> to vector<3136x64xf32>
    %get3A_105 = arith.constant 7 : index
    %get3A_106 = arith.constant 0 : index
    %get3A_107 = arith.constant 0 : index
    %get3A_108 = vector.load %arg4[%get3A_105, %get3A_106, %get3A_107] : memref<9x64x64xf32, #tpu.memory_space<vmem>>, vector<1x64x64xf32>
    %get3A_109 = vector.shape_cast %get3A_108 : vector<1x64x64xf32> to vector<64x64xf32>
    %dot_general3A_110 = arith.constant dense<0.000000e+00> : vector<3136x64xf32>
    %dot_general3A_111 = tpu.matmul %reshape3A_104, %get3A_109, %dot_general3A_110 {dimension_numbers = #tpu.dot_dimension_numbers<[1], [0], [0], [1], [0, 0, 1, 1], [], []>, transpose_lhs_hint = false} : vector<3136x64xf32>, vector<64x64xf32>, vector<3136x64xf32> -> vector<3136x64xf32>
    %add3A_112 = arith.addf %add3A_99, %dot_general3A_111 : vector<3136x64xf32>
    %get3A_113 = arith.constant 2 : index
    %get3A_114 = arith.constant 2 : index
    %get3A_115 = arith.constant 0 : index
    %get3A_116 = vector.load %arg17[%get3A_113, %get3A_114, %get3A_115] : memref<58x58x64xf32, #tpu.memory_space<vmem>>, vector<56x56x64xf32>
    %reshape3A_117 = vector.shape_cast %get3A_116 : vector<56x56x64xf32> to vector<3136x64xf32>
    %get3A_118 = arith.constant 8 : index
    %get3A_119 = arith.constant 0 : index
    %get3A_120 = arith.constant 0 : index
    %get3A_121 = vector.load %arg4[%get3A_118, %get3A_119, %get3A_120] : memref<9x64x64xf32, #tpu.memory_space<vmem>>, vector<1x64x64xf32>
    %get3A_122 = vector.shape_cast %get3A_121 : vector<1x64x64xf32> to vector<64x64xf32>
    %dot_general3A_123 = arith.constant dense<0.000000e+00> : vector<3136x64xf32>
    %dot_general3A_124 = tpu.matmul %reshape3A_117, %get3A_122, %dot_general3A_123 {dimension_numbers = #tpu.dot_dimension_numbers<[1], [0], [0], [1], [0, 0, 1, 1], [], []>, transpose_lhs_hint = false} : vector<3136x64xf32>, vector<64x64xf32>, vector<3136x64xf32> -> vector<3136x64xf32>
    %add3A_125 = arith.addf %add3A_112, %dot_general3A_124 : vector<3136x64xf32>
    %get3A_126 = arith.constant 0 : index
    %get3A_127 = arith.constant 0 : index
    %get3A_128 = vector.load %arg5[%get3A_126, %get3A_127] : memref<1x64xf32, #tpu.memory_space<vmem>>, vector<1x64xf32>
    %add3A_129 = vector.broadcast %get3A_128 : vector<1x64xf32> to vector<3136x64xf32>
    %add3A_130 = arith.addf %add3A_125, %add3A_129 : vector<3136x64xf32>
    %max3A = arith.constant 0.000000e+00 : f32
    %max3A_131 = vector.broadcast %max3A : f32 to vector<3136x64xf32>
    %max3A_132 = arith.maximumf %add3A_130, %max3A_131 : vector<3136x64xf32>
    %broadcast_in_dim3A_133 = arith.constant 0.000000e+00 : f32
    %broadcast_in_dim3A_134 = vector.broadcast %broadcast_in_dim3A_133 : f32 to vector<58x58x64xf32>
    %swap3A_135 = arith.constant 0 : index
    %swap3A_136 = arith.constant 0 : index
    %swap3A_137 = arith.constant 0 : index
    %swap3A_138 = vector.load %arg18[%swap3A_135, %swap3A_136, %swap3A_137] : memref<58x58x64xf32, #tpu.memory_space<vmem>>, vector<58x58x64xf32>
    tpu.vector_store %arg18[%swap3A_135, %swap3A_136, %swap3A_137], %broadcast_in_dim3A_134 {strides = array<i32>} : memref<58x58x64xf32, #tpu.memory_space<vmem>>, vector<58x58x64xf32>,
    %reshape3A_139 = vector.shape_cast %max3A_132 : vector<3136x64xf32> to vector<56x56x64xf32>
    %swap3A_140 = arith.constant 1 : index
    %swap3A_141 = arith.constant 1 : index
    %swap3A_142 = arith.constant 0 : index
    %swap3A_143 = vector.load %arg18[%swap3A_140, %swap3A_141, %swap3A_142] : memref<58x58x64xf32, #tpu.memory_space<vmem>>, vector<56x56x64xf32>
    tpu.vector_store %arg18[%swap3A_140, %swap3A_141, %swap3A_142], %reshape3A_139 {strides = array<i32>} : memref<58x58x64xf32, #tpu.memory_space<vmem>>, vector<56x56x64xf32>,
    %get3A_144 = arith.constant 0 : index
    %get3A_145 = arith.constant 0 : index
    %get3A_146 = arith.constant 0 : index
    %get3A_147 = vector.load %arg18[%get3A_144, %get3A_145, %get3A_146] : memref<58x58x64xf32, #tpu.memory_space<vmem>>, vector<56x56x64xf32>
    %reshape3A_148 = vector.shape_cast %get3A_147 : vector<56x56x64xf32> to vector<3136x64xf32>
    %get3A_149 = arith.constant 0 : index
    %get3A_150 = arith.constant 0 : index
    %get3A_151 = arith.constant 0 : index
    %get3A_152 = arith.constant 0 : index
    %get3A_153 = vector.load %arg6[%get3A_149, %get3A_150, %get3A_151, %get3A_152] : memref<2x9x64x32xf32, #tpu.memory_space<vmem>>, vector<1x1x64x32xf32>
    %get3A_154 = vector.shape_cast %get3A_153 : vector<1x1x64x32xf32> to vector<64x32xf32>
    %dot_general3A_155 = arith.constant dense<0.000000e+00> : vector<3136x32xf32>
    %dot_general3A_156 = tpu.matmul %reshape3A_148, %get3A_154, %dot_general3A_155 {dimension_numbers = #tpu.dot_dimension_numbers<[1], [0], [0], [1], [0, 0, 1, 1], [], []>, transpose_lhs_hint = false} : vector<3136x64xf32>, vector<64x32xf32>, vector<3136x32xf32> -> vector<3136x32xf32>
    %get3A_157 = arith.constant 0 : index
    %get3A_158 = arith.constant 1 : index
    %get3A_159 = arith.constant 0 : index
    %get3A_160 = vector.load %arg18[%get3A_157, %get3A_158, %get3A_159] : memref<58x58x64xf32, #tpu.memory_space<vmem>>, vector<56x56x64xf32>
    %reshape3A_161 = vector.shape_cast %get3A_160 : vector<56x56x64xf32> to vector<3136x64xf32>
    %get3A_162 = arith.constant 0 : index
    %get3A_163 = arith.constant 1 : index
    %get3A_164 = arith.constant 0 : index
    %get3A_165 = arith.constant 0 : index
    %get3A_166 = vector.load %arg6[%get3A_162, %get3A_163, %get3A_164, %get3A_165] : memref<2x9x64x32xf32, #tpu.memory_space<vmem>>, vector<1x1x64x32xf32>
    %get3A_167 = vector.shape_cast %get3A_166 : vector<1x1x64x32xf32> to vector<64x32xf32>
    %dot_general3A_168 = arith.constant dense<0.000000e+00> : vector<3136x32xf32>
    %dot_general3A_169 = tpu.matmul %reshape3A_161, %get3A_167, %dot_general3A_168 {dimension_numbers = #tpu.dot_dimension_numbers<[1], [0], [0], [1], [0, 0, 1, 1], [], []>, transpose_lhs_hint = false} : vector<3136x64xf32>, vector<64x32xf32>, vector<3136x32xf32> -> vector<3136x32xf32>
    %add3A_170 = arith.addf %dot_general3A_156, %dot_general3A_169 : vector<3136x32xf32>
    %get3A_171 = arith.constant 0 : index
    %get3A_172 = arith.constant 2 : index
    %get3A_173 = arith.constant 0 : index
    %get3A_174 = vector.load %arg18[%get3A_171, %get3A_172, %get3A_173] : memref<58x58x64xf32, #tpu.memory_space<vmem>>, vector<56x56x64xf32>
    %reshape3A_175 = vector.shape_cast %get3A_174 : vector<56x56x64xf32> to vector<3136x64xf32>
    %get3A_176 = arith.constant 0 : index
    %get3A_177 = arith.constant 2 : index
    %get3A_178 = arith.constant 0 : index
    %get3A_179 = arith.constant 0 : index
    %get3A_180 = vector.load %arg6[%get3A_176, %get3A_177, %get3A_178, %get3A_179] : memref<2x9x64x32xf32, #tpu.memory_space<vmem>>, vector<1x1x64x32xf32>
    %get3A_181 = vector.shape_cast %get3A_180 : vector<1x1x64x32xf32> to vector<64x32xf32>
    %dot_general3A_182 = arith.constant dense<0.000000e+00> : vector<3136x32xf32>
    %dot_general3A_183 = tpu.matmul %reshape3A_175, %get3A_181, %dot_general3A_182 {dimension_numbers = #tpu.dot_dimension_numbers<[1], [0], [0], [1], [0, 0, 1, 1], [], []>, transpose_lhs_hint = false} : vector<3136x64xf32>, vector<64x32xf32>, vector<3136x32xf32> -> vector<3136x32xf32>
    %add3A_184 = arith.addf %add3A_170, %dot_general3A_183 : vector<3136x32xf32>
    %get3A_185 = arith.constant 1 : index
    %get3A_186 = arith.constant 0 : index
    %get3A_187 = arith.constant 0 : index
    %get3A_188 = vector.load %arg18[%get3A_185, %get3A_186, %get3A_187] : memref<58x58x64xf32, #tpu.memory_space<vmem>>, vector<56x56x64xf32>
    %reshape3A_189 = vector.shape_cast %get3A_188 : vector<56x56x64xf32> to vector<3136x64xf32>
    %get3A_190 = arith.constant 0 : index
    %get3A_191 = arith.constant 3 : index
    %get3A_192 = arith.constant 0 : index
    %get3A_193 = arith.constant 0 : index
    %get3A_194 = vector.load %arg6[%get3A_190, %get3A_191, %get3A_192, %get3A_193] : memref<2x9x64x32xf32, #tpu.memory_space<vmem>>, vector<1x1x64x32xf32>
    %get3A_195 = vector.shape_cast %get3A_194 : vector<1x1x64x32xf32> to vector<64x32xf32>
    %dot_general3A_196 = arith.constant dense<0.000000e+00> : vector<3136x32xf32>
    %dot_general3A_197 = tpu.matmul %reshape3A_189, %get3A_195, %dot_general3A_196 {dimension_numbers = #tpu.dot_dimension_numbers<[1], [0], [0], [1], [0, 0, 1, 1], [], []>, transpose_lhs_hint = false} : vector<3136x64xf32>, vector<64x32xf32>, vector<3136x32xf32> -> vector<3136x32xf32>
    %add3A_198 = arith.addf %add3A_184, %dot_general3A_197 : vector<3136x32xf32>
    %get3A_199 = arith.constant 1 : index
    %get3A_200 = arith.constant 1 : index
    %get3A_201 = arith.constant 0 : index
    %get3A_202 = vector.load %arg18[%get3A_199, %get3A_200, %get3A_201] : memref<58x58x64xf32, #tpu.memory_space<vmem>>, vector<56x56x64xf32>
    %reshape3A_203 = vector.shape_cast %get3A_202 : vector<56x56x64xf32> to vector<3136x64xf32>
    %get3A_204 = arith.constant 0 : index
    %get3A_205 = arith.constant 4 : index
    %get3A_206 = arith.constant 0 : index
    %get3A_207 = arith.constant 0 : index
    %get3A_208 = vector.load %arg6[%get3A_204, %get3A_205, %get3A_206, %get3A_207] : memref<2x9x64x32xf32, #tpu.memory_space<vmem>>, vector<1x1x64x32xf32>
    %get3A_209 = vector.shape_cast %get3A_208 : vector<1x1x64x32xf32> to vector<64x32xf32>
    %dot_general3A_210 = arith.constant dense<0.000000e+00> : vector<3136x32xf32>
    %dot_general3A_211 = tpu.matmul %reshape3A_203, %get3A_209, %dot_general3A_210 {dimension_numbers = #tpu.dot_dimension_numbers<[1], [0], [0], [1], [0, 0, 1, 1], [], []>, transpose_lhs_hint = false} : vector<3136x64xf32>, vector<64x32xf32>, vector<3136x32xf32> -> vector<3136x32xf32>
    %add3A_212 = arith.addf %add3A_198, %dot_general3A_211 : vector<3136x32xf32>
    %get3A_213 = arith.constant 1 : index
    %get3A_214 = arith.constant 2 : index
    %get3A_215 = arith.constant 0 : index
    %get3A_216 = vector.load %arg18[%get3A_213, %get3A_214, %get3A_215] : memref<58x58x64xf32, #tpu.memory_space<vmem>>, vector<56x56x64xf32>
    %reshape3A_217 = vector.shape_cast %get3A_216 : vector<56x56x64xf32> to vector<3136x64xf32>
    %get3A_218 = arith.constant 0 : index
    %get3A_219 = arith.constant 5 : index
    %get3A_220 = arith.constant 0 : index
    %get3A_221 = arith.constant 0 : index
    %get3A_222 = vector.load %arg6[%get3A_218, %get3A_219, %get3A_220, %get3A_221] : memref<2x9x64x32xf32, #tpu.memory_space<vmem>>, vector<1x1x64x32xf32>
    %get3A_223 = vector.shape_cast %get3A_222 : vector<1x1x64x32xf32> to vector<64x32xf32>
    %dot_general3A_224 = arith.constant dense<0.000000e+00> : vector<3136x32xf32>
    %dot_general3A_225 = tpu.matmul %reshape3A_217, %get3A_223, %dot_general3A_224 {dimension_numbers = #tpu.dot_dimension_numbers<[1], [0], [0], [1], [0, 0, 1, 1], [], []>, transpose_lhs_hint = false} : vector<3136x64xf32>, vector<64x32xf32>, vector<3136x32xf32> -> vector<3136x32xf32>
    %add3A_226 = arith.addf %add3A_212, %dot_general3A_225 : vector<3136x32xf32>
    %get3A_227 = arith.constant 2 : index
    %get3A_228 = arith.constant 0 : index
    %get3A_229 = arith.constant 0 : index
    %get3A_230 = vector.load %arg18[%get3A_227, %get3A_228, %get3A_229] : memref<58x58x64xf32, #tpu.memory_space<vmem>>, vector<56x56x64xf32>
    %reshape3A_231 = vector.shape_cast %get3A_230 : vector<56x56x64xf32> to vector<3136x64xf32>
    %get3A_232 = arith.constant 0 : index
    %get3A_233 = arith.constant 6 : index
    %get3A_234 = arith.constant 0 : index
    %get3A_235 = arith.constant 0 : index
    %get3A_236 = vector.load %arg6[%get3A_232, %get3A_233, %get3A_234, %get3A_235] : memref<2x9x64x32xf32, #tpu.memory_space<vmem>>, vector<1x1x64x32xf32>
    %get3A_237 = vector.shape_cast %get3A_236 : vector<1x1x64x32xf32> to vector<64x32xf32>
    %dot_general3A_238 = arith.constant dense<0.000000e+00> : vector<3136x32xf32>
    %dot_general3A_239 = tpu.matmul %reshape3A_231, %get3A_237, %dot_general3A_238 {dimension_numbers = #tpu.dot_dimension_numbers<[1], [0], [0], [1], [0, 0, 1, 1], [], []>, transpose_lhs_hint = false} : vector<3136x64xf32>, vector<64x32xf32>, vector<3136x32xf32> -> vector<3136x32xf32>
    %add3A_240 = arith.addf %add3A_226, %dot_general3A_239 : vector<3136x32xf32>
    %get3A_241 = arith.constant 2 : index
    %get3A_242 = arith.constant 1 : index
    %get3A_243 = arith.constant 0 : index
    %get3A_244 = vector.load %arg18[%get3A_241, %get3A_242, %get3A_243] : memref<58x58x64xf32, #tpu.memory_space<vmem>>, vector<56x56x64xf32>
    %reshape3A_245 = vector.shape_cast %get3A_244 : vector<56x56x64xf32> to vector<3136x64xf32>
    %get3A_246 = arith.constant 0 : index
    %get3A_247 = arith.constant 7 : index
    %get3A_248 = arith.constant 0 : index
    %get3A_249 = arith.constant 0 : index
    %get3A_250 = vector.load %arg6[%get3A_246, %get3A_247, %get3A_248, %get3A_249] : memref<2x9x64x32xf32, #tpu.memory_space<vmem>>, vector<1x1x64x32xf32>
    %get3A_251 = vector.shape_cast %get3A_250 : vector<1x1x64x32xf32> to vector<64x32xf32>
    %dot_general3A_252 = arith.constant dense<0.000000e+00> : vector<3136x32xf32>
    %dot_general3A_253 = tpu.matmul %reshape3A_245, %get3A_251, %dot_general3A_252 {dimension_numbers = #tpu.dot_dimension_numbers<[1], [0], [0], [1], [0, 0, 1, 1], [], []>, transpose_lhs_hint = false} : vector<3136x64xf32>, vector<64x32xf32>, vector<3136x32xf32> -> vector<3136x32xf32>
    %add3A_254 = arith.addf %add3A_240, %dot_general3A_253 : vector<3136x32xf32>
    %get3A_255 = arith.constant 2 : index
    %get3A_256 = arith.constant 2 : index
    %get3A_257 = arith.constant 0 : index
    %get3A_258 = vector.load %arg18[%get3A_255, %get3A_256, %get3A_257] : memref<58x58x64xf32, #tpu.memory_space<vmem>>, vector<56x56x64xf32>
    %reshape3A_259 = vector.shape_cast %get3A_258 : vector<56x56x64xf32> to vector<3136x64xf32>
    %get3A_260 = arith.constant 0 : index
    %get3A_261 = arith.constant 8 : index
    %get3A_262 = arith.constant 0 : index
    %get3A_263 = arith.constant 0 : index
    %get3A_264 = vector.load %arg6[%get3A_260, %get3A_261, %get3A_262, %get3A_263] : memref<2x9x64x32xf32, #tpu.memory_space<vmem>>, vector<1x1x64x32xf32>
    %get3A_265 = vector.shape_cast %get3A_264 : vector<1x1x64x32xf32> to vector<64x32xf32>
    %dot_general3A_266 = arith.constant dense<0.000000e+00> : vector<3136x32xf32>
    %dot_general3A_267 = tpu.matmul %reshape3A_259, %get3A_265, %dot_general3A_266 {dimension_numbers = #tpu.dot_dimension_numbers<[1], [0], [0], [1], [0, 0, 1, 1], [], []>, transpose_lhs_hint = false} : vector<3136x64xf32>, vector<64x32xf32>, vector<3136x32xf32> -> vector<3136x32xf32>
    %add3A_268 = arith.addf %add3A_254, %dot_general3A_267 : vector<3136x32xf32>
    %get3A_269 = arith.constant 0 : index
    %get3A_270 = arith.constant 0 : index
    %get3A_271 = arith.constant 0 : index
    %get3A_272 = vector.load %arg7[%get3A_269, %get3A_270, %get3A_271] : memref<2x1x32xf32, #tpu.memory_space<vmem>>, vector<1x1x32xf32>
    %get3A_273 = vector.shape_cast %get3A_272 : vector<1x1x32xf32> to vector<1x32xf32>
    %add3A_274 = vector.broadcast %get3A_273 : vector<1x32xf32> to vector<3136x32xf32>
    %add3A_275 = arith.addf %add3A_268, %add3A_274 : vector<3136x32xf32>
    %max3A_276 = arith.constant 0.000000e+00 : f32
    %max3A_277 = vector.broadcast %max3A_276 : f32 to vector<3136x32xf32>
    %max3A_278 = arith.maximumf %add3A_275, %max3A_277 : vector<3136x32xf32>
    %get3A_279 = arith.constant 0 : index
    %get3A_280 = arith.constant 0 : index
    %get3A_281 = arith.constant 0 : index
    %get3A_282 = vector.load %arg8[%get3A_279, %get3A_280, %get3A_281] : memref<2x32x64xf32, #tpu.memory_space<vmem>>, vector<1x32x64xf32>
    %get3A_283 = vector.shape_cast %get3A_282 : vector<1x32x64xf32> to vector<32x64xf32>
    %dot_general3A_284 = arith.constant dense<0.000000e+00> : vector<3136x64xf32>
    %dot_general3A_285 = tpu.matmul %max3A_278, %get3A_283, %dot_general3A_284 {dimension_numbers = #tpu.dot_dimension_numbers<[1], [0], [0], [1], [0, 0, 1, 1], [], []>, transpose_lhs_hint = false} : vector<3136x32xf32>, vector<32x64xf32>, vector<3136x64xf32> -> vector<3136x64xf32>
    %get3A_286 = arith.constant 0 : index
    %get3A_287 = arith.constant 0 : index
    %get3A_288 = arith.constant 0 : index
    %get3A_289 = vector.load %arg9[%get3A_286, %get3A_287, %get3A_288] : memref<2x1x64xf32, #tpu.memory_space<vmem>>, vector<1x1x64xf32>
    %get3A_290 = vector.shape_cast %get3A_289 : vector<1x1x64xf32> to vector<1x64xf32>
    %add3A_291 = vector.broadcast %get3A_290 : vector<1x64xf32> to vector<3136x64xf32>
    %add3A_292 = arith.addf %dot_general3A_285, %add3A_291 : vector<3136x64xf32>
    %add3A_293 = arith.addf %add3A_130, %add3A_292 : vector<3136x64xf32>
    %max3A_294 = arith.constant 0.000000e+00 : f32
    %max3A_295 = vector.broadcast %max3A_294 : f32 to vector<3136x64xf32>
    %max3A_296 = arith.maximumf %add3A_293, %max3A_295 : vector<3136x64xf32>
    %broadcast_in_dim3A_297 = arith.constant 0.000000e+00 : f32
    %broadcast_in_dim3A_298 = vector.broadcast %broadcast_in_dim3A_297 : f32 to vector<58x58x64xf32>
    %swap3A_299 = arith.constant 0 : index
    %swap3A_300 = arith.constant 0 : index
    %swap3A_301 = arith.constant 0 : index
    %swap3A_302 = vector.load %arg18[%swap3A_299, %swap3A_300, %swap3A_301] : memref<58x58x64xf32, #tpu.memory_space<vmem>>, vector<58x58x64xf32>
    tpu.vector_store %arg18[%swap3A_299, %swap3A_300, %swap3A_301], %broadcast_in_dim3A_298 {strides = array<i32>} : memref<58x58x64xf32, #tpu.memory_space<vmem>>, vector<58x58x64xf32>,
    %reshape3A_303 = vector.shape_cast %max3A_296 : vector<3136x64xf32> to vector<56x56x64xf32>
    %swap3A_304 = arith.constant 1 : index
    %swap3A_305 = arith.constant 1 : index
    %swap3A_306 = arith.constant 0 : index
    %swap3A_307 = vector.load %arg18[%swap3A_304, %swap3A_305, %swap3A_306] : memref<58x58x64xf32, #tpu.memory_space<vmem>>, vector<56x56x64xf32>
    tpu.vector_store %arg18[%swap3A_304, %swap3A_305, %swap3A_306], %reshape3A_303 {strides = array<i32>} : memref<58x58x64xf32, #tpu.memory_space<vmem>>, vector<56x56x64xf32>,
    %get3A_308 = arith.constant 0 : index
    %get3A_309 = arith.constant 0 : index
    %get3A_310 = arith.constant 0 : index
    %get3A_311 = vector.load %arg18[%get3A_308, %get3A_309, %get3A_310] : memref<58x58x64xf32, #tpu.memory_space<vmem>>, vector<56x56x64xf32>
    %reshape3A_312 = vector.shape_cast %get3A_311 : vector<56x56x64xf32> to vector<3136x64xf32>
    %get3A_313 = arith.constant 1 : index
    %get3A_314 = arith.constant 0 : index
    %get3A_315 = arith.constant 0 : index
    %get3A_316 = arith.constant 0 : index
    %get3A_317 = vector.load %arg6[%get3A_313, %get3A_314, %get3A_315, %get3A_316] : memref<2x9x64x32xf32, #tpu.memory_space<vmem>>, vector<1x1x64x32xf32>
    %get3A_318 = vector.shape_cast %get3A_317 : vector<1x1x64x32xf32> to vector<64x32xf32>
    %dot_general3A_319 = arith.constant dense<0.000000e+00> : vector<3136x32xf32>
    %dot_general3A_320 = tpu.matmul %reshape3A_312, %get3A_318, %dot_general3A_319 {dimension_numbers = #tpu.dot_dimension_numbers<[1], [0], [0], [1], [0, 0, 1, 1], [], []>, transpose_lhs_hint = false} : vector<3136x64xf32>, vector<64x32xf32>, vector<3136x32xf32> -> vector<3136x32xf32>
    %get3A_321 = arith.constant 0 : index
    %get3A_322 = arith.constant 1 : index
    %get3A_323 = arith.constant 0 : index
    %get3A_324 = vector.load %arg18[%get3A_321, %get3A_322, %get3A_323] : memref<58x58x64xf32, #tpu.memory_space<vmem>>, vector<56x56x64xf32>
    %reshape3A_325 = vector.shape_cast %get3A_324 : vector<56x56x64xf32> to vector<3136x64xf32>
    %get3A_326 = arith.constant 1 : index
    %get3A_327 = arith.constant 1 : index
    %get3A_328 = arith.constant 0 : index
    %get3A_329 = arith.constant 0 : index
    %get3A_330 = vector.load %arg6[%get3A_326, %get3A_327, %get3A_328, %get3A_329] : memref<2x9x64x32xf32, #tpu.memory_space<vmem>>, vector<1x1x64x32xf32>
    %get3A_331 = vector.shape_cast %get3A_330 : vector<1x1x64x32xf32> to vector<64x32xf32>
    %dot_general3A_332 = arith.constant dense<0.000000e+00> : vector<3136x32xf32>
    %dot_general3A_333 = tpu.matmul %reshape3A_325, %get3A_331, %dot_general3A_332 {dimension_numbers = #tpu.dot_dimension_numbers<[1], [0], [0], [1], [0, 0, 1, 1], [], []>, transpose_lhs_hint = false} : vector<3136x64xf32>, vector<64x32xf32>, vector<3136x32xf32> -> vector<3136x32xf32>
    %add3A_334 = arith.addf %dot_general3A_320, %dot_general3A_333 : vector<3136x32xf32>
    %get3A_335 = arith.constant 0 : index
    %get3A_336 = arith.constant 2 : index
    %get3A_337 = arith.constant 0 : index
    %get3A_338 = vector.load %arg18[%get3A_335, %get3A_336, %get3A_337] : memref<58x58x64xf32, #tpu.memory_space<vmem>>, vector<56x56x64xf32>
    %reshape3A_339 = vector.shape_cast %get3A_338 : vector<56x56x64xf32> to vector<3136x64xf32>
    %get3A_340 = arith.constant 1 : index
    %get3A_341 = arith.constant 2 : index
    %get3A_342 = arith.constant 0 : index
    %get3A_343 = arith.constant 0 : index
    %get3A_344 = vector.load %arg6[%get3A_340, %get3A_341, %get3A_342, %get3A_343] : memref<2x9x64x32xf32, #tpu.memory_space<vmem>>, vector<1x1x64x32xf32>
    %get3A_345 = vector.shape_cast %get3A_344 : vector<1x1x64x32xf32> to vector<64x32xf32>
    %dot_general3A_346 = arith.constant dense<0.000000e+00> : vector<3136x32xf32>
    %dot_general3A_347 = tpu.matmul %reshape3A_339, %get3A_345, %dot_general3A_346 {dimension_numbers = #tpu.dot_dimension_numbers<[1], [0], [0], [1], [0, 0, 1, 1], [], []>, transpose_lhs_hint = false} : vector<3136x64xf32>, vector<64x32xf32>, vector<3136x32xf32> -> vector<3136x32xf32>
    %add3A_348 = arith.addf %add3A_334, %dot_general3A_347 : vector<3136x32xf32>
    %get3A_349 = arith.constant 1 : index
    %get3A_350 = arith.constant 0 : index
    %get3A_351 = arith.constant 0 : index
    %get3A_352 = vector.load %arg18[%get3A_349, %get3A_350, %get3A_351] : memref<58x58x64xf32, #tpu.memory_space<vmem>>, vector<56x56x64xf32>
    %reshape3A_353 = vector.shape_cast %get3A_352 : vector<56x56x64xf32> to vector<3136x64xf32>
    %get3A_354 = arith.constant 1 : index
    %get3A_355 = arith.constant 3 : index
    %get3A_356 = arith.constant 0 : index
    %get3A_357 = arith.constant 0 : index
    %get3A_358 = vector.load %arg6[%get3A_354, %get3A_355, %get3A_356, %get3A_357] : memref<2x9x64x32xf32, #tpu.memory_space<vmem>>, vector<1x1x64x32xf32>
    %get3A_359 = vector.shape_cast %get3A_358 : vector<1x1x64x32xf32> to vector<64x32xf32>
    %dot_general3A_360 = arith.constant dense<0.000000e+00> : vector<3136x32xf32>
    %dot_general3A_361 = tpu.matmul %reshape3A_353, %get3A_359, %dot_general3A_360 {dimension_numbers = #tpu.dot_dimension_numbers<[1], [0], [0], [1], [0, 0, 1, 1], [], []>, transpose_lhs_hint = false} : vector<3136x64xf32>, vector<64x32xf32>, vector<3136x32xf32> -> vector<3136x32xf32>
    %add3A_362 = arith.addf %add3A_348, %dot_general3A_361 : vector<3136x32xf32>
    %get3A_363 = arith.constant 1 : index
    %get3A_364 = arith.constant 1 : index
    %get3A_365 = arith.constant 0 : index
    %get3A_366 = vector.load %arg18[%get3A_363, %get3A_364, %get3A_365] : memref<58x58x64xf32, #tpu.memory_space<vmem>>, vector<56x56x64xf32>
    %reshape3A_367 = vector.shape_cast %get3A_366 : vector<56x56x64xf32> to vector<3136x64xf32>
    %get3A_368 = arith.constant 1 : index
    %get3A_369 = arith.constant 4 : index
    %get3A_370 = arith.constant 0 : index
    %get3A_371 = arith.constant 0 : index
    %get3A_372 = vector.load %arg6[%get3A_368, %get3A_369, %get3A_370, %get3A_371] : memref<2x9x64x32xf32, #tpu.memory_space<vmem>>, vector<1x1x64x32xf32>
    %get3A_373 = vector.shape_cast %get3A_372 : vector<1x1x64x32xf32> to vector<64x32xf32>
    %dot_general3A_374 = arith.constant dense<0.000000e+00> : vector<3136x32xf32>
    %dot_general3A_375 = tpu.matmul %reshape3A_367, %get3A_373, %dot_general3A_374 {dimension_numbers = #tpu.dot_dimension_numbers<[1], [0], [0], [1], [0, 0, 1, 1], [], []>, transpose_lhs_hint = false} : vector<3136x64xf32>, vector<64x32xf32>, vector<3136x32xf32> -> vector<3136x32xf32>
    %add3A_376 = arith.addf %add3A_362, %dot_general3A_375 : vector<3136x32xf32>
    %get3A_377 = arith.constant 1 : index
    %get3A_378 = arith.constant 2 : index
    %get3A_379 = arith.constant 0 : index
    %get3A_380 = vector.load %arg18[%get3A_377, %get3A_378, %get3A_379] : memref<58x58x64xf32, #tpu.memory_space<vmem>>, vector<56x56x64xf32>
    %reshape3A_381 = vector.shape_cast %get3A_380 : vector<56x56x64xf32> to vector<3136x64xf32>
    %get3A_382 = arith.constant 1 : index
    %get3A_383 = arith.constant 5 : index
    %get3A_384 = arith.constant 0 : index
    %get3A_385 = arith.constant 0 : index
    %get3A_386 = vector.load %arg6[%get3A_382, %get3A_383, %get3A_384, %get3A_385] : memref<2x9x64x32xf32, #tpu.memory_space<vmem>>, vector<1x1x64x32xf32>
    %get3A_387 = vector.shape_cast %get3A_386 : vector<1x1x64x32xf32> to vector<64x32xf32>
    %dot_general3A_388 = arith.constant dense<0.000000e+00> : vector<3136x32xf32>
    %dot_general3A_389 = tpu.matmul %reshape3A_381, %get3A_387, %dot_general3A_388 {dimension_numbers = #tpu.dot_dimension_numbers<[1], [0], [0], [1], [0, 0, 1, 1], [], []>, transpose_lhs_hint = false} : vector<3136x64xf32>, vector<64x32xf32>, vector<3136x32xf32> -> vector<3136x32xf32>
    %add3A_390 = arith.addf %add3A_376, %dot_general3A_389 : vector<3136x32xf32>
    %get3A_391 = arith.constant 2 : index
    %get3A_392 = arith.constant 0 : index
    %get3A_393 = arith.constant 0 : index
    %get3A_394 = vector.load %arg18[%get3A_391, %get3A_392, %get3A_393] : memref<58x58x64xf32, #tpu.memory_space<vmem>>, vector<56x56x64xf32>
    %reshape3A_395 = vector.shape_cast %get3A_394 : vector<56x56x64xf32> to vector<3136x64xf32>
    %get3A_396 = arith.constant 1 : index
    %get3A_397 = arith.constant 6 : index
    %get3A_398 = arith.constant 0 : index
    %get3A_399 = arith.constant 0 : index
    %get3A_400 = vector.load %arg6[%get3A_396, %get3A_397, %get3A_398, %get3A_399] : memref<2x9x64x32xf32, #tpu.memory_space<vmem>>, vector<1x1x64x32xf32>
    %get3A_401 = vector.shape_cast %get3A_400 : vector<1x1x64x32xf32> to vector<64x32xf32>
    %dot_general3A_402 = arith.constant dense<0.000000e+00> : vector<3136x32xf32>
    %dot_general3A_403 = tpu.matmul %reshape3A_395, %get3A_401, %dot_general3A_402 {dimension_numbers = #tpu.dot_dimension_numbers<[1], [0], [0], [1], [0, 0, 1, 1], [], []>, transpose_lhs_hint = false} : vector<3136x64xf32>, vector<64x32xf32>, vector<3136x32xf32> -> vector<3136x32xf32>
    %add3A_404 = arith.addf %add3A_390, %dot_general3A_403 : vector<3136x32xf32>
    %get3A_405 = arith.constant 2 : index
    %get3A_406 = arith.constant 1 : index
    %get3A_407 = arith.constant 0 : index
    %get3A_408 = vector.load %arg18[%get3A_405, %get3A_406, %get3A_407] : memref<58x58x64xf32, #tpu.memory_space<vmem>>, vector<56x56x64xf32>
    %reshape3A_409 = vector.shape_cast %get3A_408 : vector<56x56x64xf32> to vector<3136x64xf32>
    %get3A_410 = arith.constant 1 : index
    %get3A_411 = arith.constant 7 : index
    %get3A_412 = arith.constant 0 : index
    %get3A_413 = arith.constant 0 : index
    %get3A_414 = vector.load %arg6[%get3A_410, %get3A_411, %get3A_412, %get3A_413] : memref<2x9x64x32xf32, #tpu.memory_space<vmem>>, vector<1x1x64x32xf32>
    %get3A_415 = vector.shape_cast %get3A_414 : vector<1x1x64x32xf32> to vector<64x32xf32>
    %dot_general3A_416 = arith.constant dense<0.000000e+00> : vector<3136x32xf32>
    %dot_general3A_417 = tpu.matmul %reshape3A_409, %get3A_415, %dot_general3A_416 {dimension_numbers = #tpu.dot_dimension_numbers<[1], [0], [0], [1], [0, 0, 1, 1], [], []>, transpose_lhs_hint = false} : vector<3136x64xf32>, vector<64x32xf32>, vector<3136x32xf32> -> vector<3136x32xf32>
    %add3A_418 = arith.addf %add3A_404, %dot_general3A_417 : vector<3136x32xf32>
    %get3A_419 = arith.constant 2 : index
    %get3A_420 = arith.constant 2 : index
    %get3A_421 = arith.constant 0 : index
    %get3A_422 = vector.load %arg18[%get3A_419, %get3A_420, %get3A_421] : memref<58x58x64xf32, #tpu.memory_space<vmem>>, vector<56x56x64xf32>
    %reshape3A_423 = vector.shape_cast %get3A_422 : vector<56x56x64xf32> to vector<3136x64xf32>
    %get3A_424 = arith.constant 1 : index
    %get3A_425 = arith.constant 8 : index
    %get3A_426 = arith.constant 0 : index
    %get3A_427 = arith.constant 0 : index
    %get3A_428 = vector.load %arg6[%get3A_424, %get3A_425, %get3A_426, %get3A_427] : memref<2x9x64x32xf32, #tpu.memory_space<vmem>>, vector<1x1x64x32xf32>
    %get3A_429 = vector.shape_cast %get3A_428 : vector<1x1x64x32xf32> to vector<64x32xf32>
    %dot_general3A_430 = arith.constant dense<0.000000e+00> : vector<3136x32xf32>
    %dot_general3A_431 = tpu.matmul %reshape3A_423, %get3A_429, %dot_general3A_430 {dimension_numbers = #tpu.dot_dimension_numbers<[1], [0], [0], [1], [0, 0, 1, 1], [], []>, transpose_lhs_hint = false} : vector<3136x64xf32>, vector<64x32xf32>, vector<3136x32xf32> -> vector<3136x32xf32>
    %add3A_432 = arith.addf %add3A_418, %dot_general3A_431 : vector<3136x32xf32>
    %get3A_433 = arith.constant 1 : index
    %get3A_434 = arith.constant 0 : index
    %get3A_435 = arith.constant 0 : index
    %get3A_436 = vector.load %arg7[%get3A_433, %get3A_434, %get3A_435] : memref<2x1x32xf32, #tpu.memory_space<vmem>>, vector<1x1x32xf32>
    %get3A_437 = vector.shape_cast %get3A_436 : vector<1x1x32xf32> to vector<1x32xf32>
    %add3A_438 = vector.broadcast %get3A_437 : vector<1x32xf32> to vector<3136x32xf32>
    %add3A_439 = arith.addf %add3A_432, %add3A_438 : vector<3136x32xf32>
    %max3A_440 = arith.constant 0.000000e+00 : f32
    %max3A_441 = vector.broadcast %max3A_440 : f32 to vector<3136x32xf32>
    %max3A_442 = arith.maximumf %add3A_439, %max3A_441 : vector<3136x32xf32>
    %get3A_443 = arith.constant 1 : index
    %get3A_444 = arith.constant 0 : index
    %get3A_445 = arith.constant 0 : index
    %get3A_446 = vector.load %arg8[%get3A_443, %get3A_444, %get3A_445] : memref<2x32x64xf32, #tpu.memory_space<vmem>>, vector<1x32x64xf32>
    %get3A_447 = vector.shape_cast %get3A_446 : vector<1x32x64xf32> to vector<32x64xf32>
    %dot_general3A_448 = arith.constant dense<0.000000e+00> : vector<3136x64xf32>
    %dot_general3A_449 = tpu.matmul %max3A_442, %get3A_447, %dot_general3A_448 {dimension_numbers = #tpu.dot_dimension_numbers<[1], [0], [0], [1], [0, 0, 1, 1], [], []>, transpose_lhs_hint = false} : vector<3136x32xf32>, vector<32x64xf32>, vector<3136x64xf32> -> vector<3136x64xf32>
    %get3A_450 = arith.constant 1 : index
    %get3A_451 = arith.constant 0 : index
    %get3A_452 = arith.constant 0 : index
    %get3A_453 = vector.load %arg9[%get3A_450, %get3A_451, %get3A_452] : memref<2x1x64xf32, #tpu.memory_space<vmem>>, vector<1x1x64xf32>
    %get3A_454 = vector.shape_cast %get3A_453 : vector<1x1x64xf32> to vector<1x64xf32>
    %add3A_455 = vector.broadcast %get3A_454 : vector<1x64xf32> to vector<3136x64xf32>
    %add3A_456 = arith.addf %dot_general3A_449, %add3A_455 : vector<3136x64xf32>
    %add3A_457 = arith.addf %add3A_293, %add3A_456 : vector<3136x64xf32>
    %max3A_458 = arith.constant 0.000000e+00 : f32
    %max3A_459 = vector.broadcast %max3A_458 : f32 to vector<3136x64xf32>
    %max3A_460 = arith.maximumf %add3A_457, %max3A_459 : vector<3136x64xf32>
    %broadcast_in_dim3A_461 = arith.constant 0.000000e+00 : f32
    %broadcast_in_dim3A_462 = vector.broadcast %broadcast_in_dim3A_461 : f32 to vector<58x58x64xf32>
    %swap3A_463 = arith.constant 0 : index
    %swap3A_464 = arith.constant 0 : index
    %swap3A_465 = arith.constant 0 : index
    %swap3A_466 = vector.load %arg17[%swap3A_463, %swap3A_464, %swap3A_465] : memref<58x58x64xf32, #tpu.memory_space<vmem>>, vector<58x58x64xf32>
    tpu.vector_store %arg17[%swap3A_463, %swap3A_464, %swap3A_465], %broadcast_in_dim3A_462 {strides = array<i32>} : memref<58x58x64xf32, #tpu.memory_space<vmem>>, vector<58x58x64xf32>,
    %reshape3A_467 = vector.shape_cast %max3A_460 : vector<3136x64xf32> to vector<56x56x64xf32>
    %swap3A_468 = arith.constant 1 : index
    %swap3A_469 = arith.constant 1 : index
    %swap3A_470 = arith.constant 0 : index
    %swap3A_471 = vector.load %arg17[%swap3A_468, %swap3A_469, %swap3A_470] : memref<58x58x64xf32, #tpu.memory_space<vmem>>, vector<56x56x64xf32>
    tpu.vector_store %arg17[%swap3A_468, %swap3A_469, %swap3A_470], %reshape3A_467 {strides = array<i32>} : memref<58x58x64xf32, #tpu.memory_space<vmem>>, vector<56x56x64xf32>,
    %broadcast_in_dim3A_472 = arith.constant 0.000000e+00 : f32
    %broadcast_in_dim3A_473 = vector.broadcast %broadcast_in_dim3A_472 : f32 to vector<58x58x128xf32>
    %swap3A_474 = arith.constant 0 : index
    %swap3A_475 = arith.constant 0 : index
    %swap3A_476 = arith.constant 0 : index
    %swap3A_477 = vector.load %arg19[%swap3A_474, %swap3A_475, %swap3A_476] : memref<58x58x128xf32, #tpu.memory_space<vmem>>, vector<58x58x128xf32>
    tpu.vector_store %arg19[%swap3A_474, %swap3A_475, %swap3A_476], %broadcast_in_dim3A_473 {strides = array<i32>} : memref<58x58x128xf32, #tpu.memory_space<vmem>>, vector<58x58x128xf32>,
    %get3A_478 = arith.constant 0 : index
    %get3A_479 = arith.constant 0 : index
    %get3A_480 = arith.constant 0 : index
    %get3A_481 = vector.load %arg17[%get3A_478, %get3A_479, %get3A_480] : memref<58x58x64xf32, #tpu.memory_space<vmem>>, vector<56x56x64xf32>
    %reshape3A_482 = vector.shape_cast %get3A_481 : vector<56x56x64xf32> to vector<3136x64xf32>
    %get3A_483 = arith.constant 0 : index
    %get3A_484 = arith.constant 0 : index
    %get3A_485 = arith.constant 0 : index
    %get3A_486 = vector.load %arg10[%get3A_483, %get3A_484, %get3A_485] : memref<9x64x128xf32, #tpu.memory_space<vmem>>, vector<1x64x128xf32>
    %get3A_487 = vector.shape_cast %get3A_486 : vector<1x64x128xf32> to vector<64x128xf32>
    %dot_general3A_488 = arith.constant dense<0.000000e+00> : vector<3136x128xf32>
    %dot_general3A_489 = tpu.matmul %reshape3A_482, %get3A_487, %dot_general3A_488 {dimension_numbers = #tpu.dot_dimension_numbers<[1], [0], [0], [1], [0, 0, 1, 1], [], []>, transpose_lhs_hint = false} : vector<3136x64xf32>, vector<64x128xf32>, vector<3136x128xf32> -> vector<3136x128xf32>
    %get3A_490 = arith.constant 0 : index
    %get3A_491 = arith.constant 1 : index
    %get3A_492 = arith.constant 0 : index
    %get3A_493 = vector.load %arg17[%get3A_490, %get3A_491, %get3A_492] : memref<58x58x64xf32, #tpu.memory_space<vmem>>, vector<56x56x64xf32>
    %reshape3A_494 = vector.shape_cast %get3A_493 : vector<56x56x64xf32> to vector<3136x64xf32>
    %get3A_495 = arith.constant 1 : index
    %get3A_496 = arith.constant 0 : index
    %get3A_497 = arith.constant 0 : index
    %get3A_498 = vector.load %arg10[%get3A_495, %get3A_496, %get3A_497] : memref<9x64x128xf32, #tpu.memory_space<vmem>>, vector<1x64x128xf32>
    %get3A_499 = vector.shape_cast %get3A_498 : vector<1x64x128xf32> to vector<64x128xf32>
    %dot_general3A_500 = arith.constant dense<0.000000e+00> : vector<3136x128xf32>
    %dot_general3A_501 = tpu.matmul %reshape3A_494, %get3A_499, %dot_general3A_500 {dimension_numbers = #tpu.dot_dimension_numbers<[1], [0], [0], [1], [0, 0, 1, 1], [], []>, transpose_lhs_hint = false} : vector<3136x64xf32>, vector<64x128xf32>, vector<3136x128xf32> -> vector<3136x128xf32>
    %add3A_502 = arith.addf %dot_general3A_489, %dot_general3A_501 : vector<3136x128xf32>
    %get3A_503 = arith.constant 0 : index
    %get3A_504 = arith.constant 2 : index
    %get3A_505 = arith.constant 0 : index
    %get3A_506 = vector.load %arg17[%get3A_503, %get3A_504, %get3A_505] : memref<58x58x64xf32, #tpu.memory_space<vmem>>, vector<56x56x64xf32>
    %reshape3A_507 = vector.shape_cast %get3A_506 : vector<56x56x64xf32> to vector<3136x64xf32>
    %get3A_508 = arith.constant 2 : index
    %get3A_509 = arith.constant 0 : index
    %get3A_510 = arith.constant 0 : index
    %get3A_511 = vector.load %arg10[%get3A_508, %get3A_509, %get3A_510] : memref<9x64x128xf32, #tpu.memory_space<vmem>>, vector<1x64x128xf32>
    %get3A_512 = vector.shape_cast %get3A_511 : vector<1x64x128xf32> to vector<64x128xf32>
    %dot_general3A_513 = arith.constant dense<0.000000e+00> : vector<3136x128xf32>
    %dot_general3A_514 = tpu.matmul %reshape3A_507, %get3A_512, %dot_general3A_513 {dimension_numbers = #tpu.dot_dimension_numbers<[1], [0], [0], [1], [0, 0, 1, 1], [], []>, transpose_lhs_hint = false} : vector<3136x64xf32>, vector<64x128xf32>, vector<3136x128xf32> -> vector<3136x128xf32>
    %add3A_515 = arith.addf %add3A_502, %dot_general3A_514 : vector<3136x128xf32>
    %get3A_516 = arith.constant 1 : index
    %get3A_517 = arith.constant 0 : index
    %get3A_518 = arith.constant 0 : index
    %get3A_519 = vector.load %arg17[%get3A_516, %get3A_517, %get3A_518] : memref<58x58x64xf32, #tpu.memory_space<vmem>>, vector<56x56x64xf32>
    %reshape3A_520 = vector.shape_cast %get3A_519 : vector<56x56x64xf32> to vector<3136x64xf32>
    %get3A_521 = arith.constant 3 : index
    %get3A_522 = arith.constant 0 : index
    %get3A_523 = arith.constant 0 : index
    %get3A_524 = vector.load %arg10[%get3A_521, %get3A_522, %get3A_523] : memref<9x64x128xf32, #tpu.memory_space<vmem>>, vector<1x64x128xf32>
    %get3A_525 = vector.shape_cast %get3A_524 : vector<1x64x128xf32> to vector<64x128xf32>
    %dot_general3A_526 = arith.constant dense<0.000000e+00> : vector<3136x128xf32>
    %dot_general3A_527 = tpu.matmul %reshape3A_520, %get3A_525, %dot_general3A_526 {dimension_numbers = #tpu.dot_dimension_numbers<[1], [0], [0], [1], [0, 0, 1, 1], [], []>, transpose_lhs_hint = false} : vector<3136x64xf32>, vector<64x128xf32>, vector<3136x128xf32> -> vector<3136x128xf32>
    %add3A_528 = arith.addf %add3A_515, %dot_general3A_527 : vector<3136x128xf32>
    %get3A_529 = arith.constant 1 : index
    %get3A_530 = arith.constant 1 : index
    %get3A_531 = arith.constant 0 : index
    %get3A_532 = vector.load %arg17[%get3A_529, %get3A_530, %get3A_531] : memref<58x58x64xf32, #tpu.memory_space<vmem>>, vector<56x56x64xf32>
    %reshape3A_533 = vector.shape_cast %get3A_532 : vector<56x56x64xf32> to vector<3136x64xf32>
    %get3A_534 = arith.constant 4 : index
    %get3A_535 = arith.constant 0 : index
    %get3A_536 = arith.constant 0 : index
    %get3A_537 = vector.load %arg10[%get3A_534, %get3A_535, %get3A_536] : memref<9x64x128xf32, #tpu.memory_space<vmem>>, vector<1x64x128xf32>
    %get3A_538 = vector.shape_cast %get3A_537 : vector<1x64x128xf32> to vector<64x128xf32>
    %dot_general3A_539 = arith.constant dense<0.000000e+00> : vector<3136x128xf32>
    %dot_general3A_540 = tpu.matmul %reshape3A_533, %get3A_538, %dot_general3A_539 {dimension_numbers = #tpu.dot_dimension_numbers<[1], [0], [0], [1], [0, 0, 1, 1], [], []>, transpose_lhs_hint = false} : vector<3136x64xf32>, vector<64x128xf32>, vector<3136x128xf32> -> vector<3136x128xf32>
    %add3A_541 = arith.addf %add3A_528, %dot_general3A_540 : vector<3136x128xf32>
    %get3A_542 = arith.constant 1 : index
    %get3A_543 = arith.constant 2 : index
    %get3A_544 = arith.constant 0 : index
    %get3A_545 = vector.load %arg17[%get3A_542, %get3A_543, %get3A_544] : memref<58x58x64xf32, #tpu.memory_space<vmem>>, vector<56x56x64xf32>
    %reshape3A_546 = vector.shape_cast %get3A_545 : vector<56x56x64xf32> to vector<3136x64xf32>
    %get3A_547 = arith.constant 5 : index
    %get3A_548 = arith.constant 0 : index
    %get3A_549 = arith.constant 0 : index
    %get3A_550 = vector.load %arg10[%get3A_547, %get3A_548, %get3A_549] : memref<9x64x128xf32, #tpu.memory_space<vmem>>, vector<1x64x128xf32>
    %get3A_551 = vector.shape_cast %get3A_550 : vector<1x64x128xf32> to vector<64x128xf32>
    %dot_general3A_552 = arith.constant dense<0.000000e+00> : vector<3136x128xf32>
    %dot_general3A_553 = tpu.matmul %reshape3A_546, %get3A_551, %dot_general3A_552 {dimension_numbers = #tpu.dot_dimension_numbers<[1], [0], [0], [1], [0, 0, 1, 1], [], []>, transpose_lhs_hint = false} : vector<3136x64xf32>, vector<64x128xf32>, vector<3136x128xf32> -> vector<3136x128xf32>
    %add3A_554 = arith.addf %add3A_541, %dot_general3A_553 : vector<3136x128xf32>
    %get3A_555 = arith.constant 2 : index
    %get3A_556 = arith.constant 0 : index
    %get3A_557 = arith.constant 0 : index
    %get3A_558 = vector.load %arg17[%get3A_555, %get3A_556, %get3A_557] : memref<58x58x64xf32, #tpu.memory_space<vmem>>, vector<56x56x64xf32>
    %reshape3A_559 = vector.shape_cast %get3A_558 : vector<56x56x64xf32> to vector<3136x64xf32>
    %get3A_560 = arith.constant 6 : index
    %get3A_561 = arith.constant 0 : index
    %get3A_562 = arith.constant 0 : index
    %get3A_563 = vector.load %arg10[%get3A_560, %get3A_561, %get3A_562] : memref<9x64x128xf32, #tpu.memory_space<vmem>>, vector<1x64x128xf32>
    %get3A_564 = vector.shape_cast %get3A_563 : vector<1x64x128xf32> to vector<64x128xf32>
    %dot_general3A_565 = arith.constant dense<0.000000e+00> : vector<3136x128xf32>
    %dot_general3A_566 = tpu.matmul %reshape3A_559, %get3A_564, %dot_general3A_565 {dimension_numbers = #tpu.dot_dimension_numbers<[1], [0], [0], [1], [0, 0, 1, 1], [], []>, transpose_lhs_hint = false} : vector<3136x64xf32>, vector<64x128xf32>, vector<3136x128xf32> -> vector<3136x128xf32>
    %add3A_567 = arith.addf %add3A_554, %dot_general3A_566 : vector<3136x128xf32>
    %get3A_568 = arith.constant 2 : index
    %get3A_569 = arith.constant 1 : index
    %get3A_570 = arith.constant 0 : index
    %get3A_571 = vector.load %arg17[%get3A_568, %get3A_569, %get3A_570] : memref<58x58x64xf32, #tpu.memory_space<vmem>>, vector<56x56x64xf32>
    %reshape3A_572 = vector.shape_cast %get3A_571 : vector<56x56x64xf32> to vector<3136x64xf32>
    %get3A_573 = arith.constant 7 : index
    %get3A_574 = arith.constant 0 : index
    %get3A_575 = arith.constant 0 : index
    %get3A_576 = vector.load %arg10[%get3A_573, %get3A_574, %get3A_575] : memref<9x64x128xf32, #tpu.memory_space<vmem>>, vector<1x64x128xf32>
    %get3A_577 = vector.shape_cast %get3A_576 : vector<1x64x128xf32> to vector<64x128xf32>
    %dot_general3A_578 = arith.constant dense<0.000000e+00> : vector<3136x128xf32>
    %dot_general3A_579 = tpu.matmul %reshape3A_572, %get3A_577, %dot_general3A_578 {dimension_numbers = #tpu.dot_dimension_numbers<[1], [0], [0], [1], [0, 0, 1, 1], [], []>, transpose_lhs_hint = false} : vector<3136x64xf32>, vector<64x128xf32>, vector<3136x128xf32> -> vector<3136x128xf32>
    %add3A_580 = arith.addf %add3A_567, %dot_general3A_579 : vector<3136x128xf32>
    %get3A_581 = arith.constant 2 : index
    %get3A_582 = arith.constant 2 : index
    %get3A_583 = arith.constant 0 : index
    %get3A_584 = vector.load %arg17[%get3A_581, %get3A_582, %get3A_583] : memref<58x58x64xf32, #tpu.memory_space<vmem>>, vector<56x56x64xf32>
    %reshape3A_585 = vector.shape_cast %get3A_584 : vector<56x56x64xf32> to vector<3136x64xf32>
    %get3A_586 = arith.constant 8 : index
    %get3A_587 = arith.constant 0 : index
    %get3A_588 = arith.constant 0 : index
    %get3A_589 = vector.load %arg10[%get3A_586, %get3A_587, %get3A_588] : memref<9x64x128xf32, #tpu.memory_space<vmem>>, vector<1x64x128xf32>
    %get3A_590 = vector.shape_cast %get3A_589 : vector<1x64x128xf32> to vector<64x128xf32>
    %dot_general3A_591 = arith.constant dense<0.000000e+00> : vector<3136x128xf32>
    %dot_general3A_592 = tpu.matmul %reshape3A_585, %get3A_590, %dot_general3A_591 {dimension_numbers = #tpu.dot_dimension_numbers<[1], [0], [0], [1], [0, 0, 1, 1], [], []>, transpose_lhs_hint = false} : vector<3136x64xf32>, vector<64x128xf32>, vector<3136x128xf32> -> vector<3136x128xf32>
    %add3A_593 = arith.addf %add3A_580, %dot_general3A_592 : vector<3136x128xf32>
    %get3A_594 = arith.constant 0 : index
    %get3A_595 = arith.constant 0 : index
    %get3A_596 = vector.load %arg11[%get3A_594, %get3A_595] : memref<1x128xf32, #tpu.memory_space<vmem>>, vector<1x128xf32>
    %add3A_597 = vector.broadcast %get3A_596 : vector<1x128xf32> to vector<3136x128xf32>
    %add3A_598 = arith.addf %add3A_593, %add3A_597 : vector<3136x128xf32>
    %max3A_599 = arith.constant 0.000000e+00 : f32
    %max3A_600 = vector.broadcast %max3A_599 : f32 to vector<3136x128xf32>
    %max3A_601 = arith.maximumf %add3A_598, %max3A_600 : vector<3136x128xf32>
    %reshape3A_602 = vector.shape_cast %max3A_601 : vector<3136x128xf32> to vector<56x56x128xf32>
    %swap3A_603 = arith.constant 1 : index
    %swap3A_604 = arith.constant 1 : index
    %swap3A_605 = arith.constant 0 : index
    %swap3A_606 = vector.load %arg19[%swap3A_603, %swap3A_604, %swap3A_605] : memref<58x58x128xf32, #tpu.memory_space<vmem>>, vector<56x56x128xf32>
    tpu.vector_store %arg19[%swap3A_603, %swap3A_604, %swap3A_605], %reshape3A_602 {strides = array<i32>} : memref<58x58x128xf32, #tpu.memory_space<vmem>>, vector<56x56x128xf32>,
    %get3A_607 = arith.constant 0 : index
    %get3A_608 = arith.constant 0 : index
    %get3A_609 = arith.constant 0 : index
    %get3A_610 = vector.load %arg19[%get3A_607, %get3A_608, %get3A_609] : memref<58x58x128xf32, #tpu.memory_space<vmem>>, vector<56x56x128xf32>
    %reshape3A_611 = vector.shape_cast %get3A_610 : vector<56x56x128xf32> to vector<3136x128xf32>
    %get3A_612 = arith.constant 0 : index
    %get3A_613 = arith.constant 0 : index
    %get3A_614 = arith.constant 0 : index
    %get3A_615 = vector.load %arg12[%get3A_612, %get3A_613, %get3A_614] : memref<9x128x48xf32, #tpu.memory_space<vmem>>, vector<1x128x48xf32>
    %get3A_616 = vector.shape_cast %get3A_615 : vector<1x128x48xf32> to vector<128x48xf32>
    %dot_general3A_617 = arith.constant dense<0.000000e+00> : vector<3136x48xf32>
    %dot_general3A_618 = tpu.matmul %reshape3A_611, %get3A_616, %dot_general3A_617 {dimension_numbers = #tpu.dot_dimension_numbers<[1], [0], [0], [1], [0, 0, 1, 1], [], []>, transpose_lhs_hint = false} : vector<3136x128xf32>, vector<128x48xf32>, vector<3136x48xf32> -> vector<3136x48xf32>
    %get3A_619 = arith.constant 0 : index
    %get3A_620 = arith.constant 1 : index
    %get3A_621 = arith.constant 0 : index
    %get3A_622 = vector.load %arg19[%get3A_619, %get3A_620, %get3A_621] : memref<58x58x128xf32, #tpu.memory_space<vmem>>, vector<56x56x128xf32>
    %reshape3A_623 = vector.shape_cast %get3A_622 : vector<56x56x128xf32> to vector<3136x128xf32>
    %get3A_624 = arith.constant 1 : index
    %get3A_625 = arith.constant 0 : index
    %get3A_626 = arith.constant 0 : index
    %get3A_627 = vector.load %arg12[%get3A_624, %get3A_625, %get3A_626] : memref<9x128x48xf32, #tpu.memory_space<vmem>>, vector<1x128x48xf32>
    %get3A_628 = vector.shape_cast %get3A_627 : vector<1x128x48xf32> to vector<128x48xf32>
    %dot_general3A_629 = arith.constant dense<0.000000e+00> : vector<3136x48xf32>
    %dot_general3A_630 = tpu.matmul %reshape3A_623, %get3A_628, %dot_general3A_629 {dimension_numbers = #tpu.dot_dimension_numbers<[1], [0], [0], [1], [0, 0, 1, 1], [], []>, transpose_lhs_hint = false} : vector<3136x128xf32>, vector<128x48xf32>, vector<3136x48xf32> -> vector<3136x48xf32>
    %add3A_631 = arith.addf %dot_general3A_618, %dot_general3A_630 : vector<3136x48xf32>
    %get3A_632 = arith.constant 0 : index
    %get3A_633 = arith.constant 2 : index
    %get3A_634 = arith.constant 0 : index
    %get3A_635 = vector.load %arg19[%get3A_632, %get3A_633, %get3A_634] : memref<58x58x128xf32, #tpu.memory_space<vmem>>, vector<56x56x128xf32>
    %reshape3A_636 = vector.shape_cast %get3A_635 : vector<56x56x128xf32> to vector<3136x128xf32>
    %get3A_637 = arith.constant 2 : index
    %get3A_638 = arith.constant 0 : index
    %get3A_639 = arith.constant 0 : index
    %get3A_640 = vector.load %arg12[%get3A_637, %get3A_638, %get3A_639] : memref<9x128x48xf32, #tpu.memory_space<vmem>>, vector<1x128x48xf32>
    %get3A_641 = vector.shape_cast %get3A_640 : vector<1x128x48xf32> to vector<128x48xf32>
    %dot_general3A_642 = arith.constant dense<0.000000e+00> : vector<3136x48xf32>
    %dot_general3A_643 = tpu.matmul %reshape3A_636, %get3A_641, %dot_general3A_642 {dimension_numbers = #tpu.dot_dimension_numbers<[1], [0], [0], [1], [0, 0, 1, 1], [], []>, transpose_lhs_hint = false} : vector<3136x128xf32>, vector<128x48xf32>, vector<3136x48xf32> -> vector<3136x48xf32>
    %add3A_644 = arith.addf %add3A_631, %dot_general3A_643 : vector<3136x48xf32>
    %get3A_645 = arith.constant 1 : index
    %get3A_646 = arith.constant 0 : index
    %get3A_647 = arith.constant 0 : index
    %get3A_648 = vector.load %arg19[%get3A_645, %get3A_646, %get3A_647] : memref<58x58x128xf32, #tpu.memory_space<vmem>>, vector<56x56x128xf32>
    %reshape3A_649 = vector.shape_cast %get3A_648 : vector<56x56x128xf32> to vector<3136x128xf32>
    %get3A_650 = arith.constant 3 : index
    %get3A_651 = arith.constant 0 : index
    %get3A_652 = arith.constant 0 : index
    %get3A_653 = vector.load %arg12[%get3A_650, %get3A_651, %get3A_652] : memref<9x128x48xf32, #tpu.memory_space<vmem>>, vector<1x128x48xf32>
    %get3A_654 = vector.shape_cast %get3A_653 : vector<1x128x48xf32> to vector<128x48xf32>
    %dot_general3A_655 = arith.constant dense<0.000000e+00> : vector<3136x48xf32>
    %dot_general3A_656 = tpu.matmul %reshape3A_649, %get3A_654, %dot_general3A_655 {dimension_numbers = #tpu.dot_dimension_numbers<[1], [0], [0], [1], [0, 0, 1, 1], [], []>, transpose_lhs_hint = false} : vector<3136x128xf32>, vector<128x48xf32>, vector<3136x48xf32> -> vector<3136x48xf32>
    %add3A_657 = arith.addf %add3A_644, %dot_general3A_656 : vector<3136x48xf32>
    %get3A_658 = arith.constant 1 : index
    %get3A_659 = arith.constant 1 : index
    %get3A_660 = arith.constant 0 : index
    %get3A_661 = vector.load %arg19[%get3A_658, %get3A_659, %get3A_660] : memref<58x58x128xf32, #tpu.memory_space<vmem>>, vector<56x56x128xf32>
    %reshape3A_662 = vector.shape_cast %get3A_661 : vector<56x56x128xf32> to vector<3136x128xf32>
    %get3A_663 = arith.constant 4 : index
    %get3A_664 = arith.constant 0 : index
    %get3A_665 = arith.constant 0 : index
    %get3A_666 = vector.load %arg12[%get3A_663, %get3A_664, %get3A_665] : memref<9x128x48xf32, #tpu.memory_space<vmem>>, vector<1x128x48xf32>
    %get3A_667 = vector.shape_cast %get3A_666 : vector<1x128x48xf32> to vector<128x48xf32>
    %dot_general3A_668 = arith.constant dense<0.000000e+00> : vector<3136x48xf32>
    %dot_general3A_669 = tpu.matmul %reshape3A_662, %get3A_667, %dot_general3A_668 {dimension_numbers = #tpu.dot_dimension_numbers<[1], [0], [0], [1], [0, 0, 1, 1], [], []>, transpose_lhs_hint = false} : vector<3136x128xf32>, vector<128x48xf32>, vector<3136x48xf32> -> vector<3136x48xf32>
    %add3A_670 = arith.addf %add3A_657, %dot_general3A_669 : vector<3136x48xf32>
    %get3A_671 = arith.constant 1 : index
    %get3A_672 = arith.constant 2 : index
    %get3A_673 = arith.constant 0 : index
    %get3A_674 = vector.load %arg19[%get3A_671, %get3A_672, %get3A_673] : memref<58x58x128xf32, #tpu.memory_space<vmem>>, vector<56x56x128xf32>
    %reshape3A_675 = vector.shape_cast %get3A_674 : vector<56x56x128xf32> to vector<3136x128xf32>
    %get3A_676 = arith.constant 5 : index
    %get3A_677 = arith.constant 0 : index
    %get3A_678 = arith.constant 0 : index
    %get3A_679 = vector.load %arg12[%get3A_676, %get3A_677, %get3A_678] : memref<9x128x48xf32, #tpu.memory_space<vmem>>, vector<1x128x48xf32>
    %get3A_680 = vector.shape_cast %get3A_679 : vector<1x128x48xf32> to vector<128x48xf32>
    %dot_general3A_681 = arith.constant dense<0.000000e+00> : vector<3136x48xf32>
    %dot_general3A_682 = tpu.matmul %reshape3A_675, %get3A_680, %dot_general3A_681 {dimension_numbers = #tpu.dot_dimension_numbers<[1], [0], [0], [1], [0, 0, 1, 1], [], []>, transpose_lhs_hint = false} : vector<3136x128xf32>, vector<128x48xf32>, vector<3136x48xf32> -> vector<3136x48xf32>
    %add3A_683 = arith.addf %add3A_670, %dot_general3A_682 : vector<3136x48xf32>
    %get3A_684 = arith.constant 2 : index
    %get3A_685 = arith.constant 0 : index
    %get3A_686 = arith.constant 0 : index
    %get3A_687 = vector.load %arg19[%get3A_684, %get3A_685, %get3A_686] : memref<58x58x128xf32, #tpu.memory_space<vmem>>, vector<56x56x128xf32>
    %reshape3A_688 = vector.shape_cast %get3A_687 : vector<56x56x128xf32> to vector<3136x128xf32>
    %get3A_689 = arith.constant 6 : index
    %get3A_690 = arith.constant 0 : index
    %get3A_691 = arith.constant 0 : index
    %get3A_692 = vector.load %arg12[%get3A_689, %get3A_690, %get3A_691] : memref<9x128x48xf32, #tpu.memory_space<vmem>>, vector<1x128x48xf32>
    %get3A_693 = vector.shape_cast %get3A_692 : vector<1x128x48xf32> to vector<128x48xf32>
    %dot_general3A_694 = arith.constant dense<0.000000e+00> : vector<3136x48xf32>
    %dot_general3A_695 = tpu.matmul %reshape3A_688, %get3A_693, %dot_general3A_694 {dimension_numbers = #tpu.dot_dimension_numbers<[1], [0], [0], [1], [0, 0, 1, 1], [], []>, transpose_lhs_hint = false} : vector<3136x128xf32>, vector<128x48xf32>, vector<3136x48xf32> -> vector<3136x48xf32>
    %add3A_696 = arith.addf %add3A_683, %dot_general3A_695 : vector<3136x48xf32>
    %get3A_697 = arith.constant 2 : index
    %get3A_698 = arith.constant 1 : index
    %get3A_699 = arith.constant 0 : index
    %get3A_700 = vector.load %arg19[%get3A_697, %get3A_698, %get3A_699] : memref<58x58x128xf32, #tpu.memory_space<vmem>>, vector<56x56x128xf32>
    %reshape3A_701 = vector.shape_cast %get3A_700 : vector<56x56x128xf32> to vector<3136x128xf32>
    %get3A_702 = arith.constant 7 : index
    %get3A_703 = arith.constant 0 : index
    %get3A_704 = arith.constant 0 : index
    %get3A_705 = vector.load %arg12[%get3A_702, %get3A_703, %get3A_704] : memref<9x128x48xf32, #tpu.memory_space<vmem>>, vector<1x128x48xf32>
    %get3A_706 = vector.shape_cast %get3A_705 : vector<1x128x48xf32> to vector<128x48xf32>
    %dot_general3A_707 = arith.constant dense<0.000000e+00> : vector<3136x48xf32>
    %dot_general3A_708 = tpu.matmul %reshape3A_701, %get3A_706, %dot_general3A_707 {dimension_numbers = #tpu.dot_dimension_numbers<[1], [0], [0], [1], [0, 0, 1, 1], [], []>, transpose_lhs_hint = false} : vector<3136x128xf32>, vector<128x48xf32>, vector<3136x48xf32> -> vector<3136x48xf32>
    %add3A_709 = arith.addf %add3A_696, %dot_general3A_708 : vector<3136x48xf32>
    %get3A_710 = arith.constant 2 : index
    %get3A_711 = arith.constant 2 : index
    %get3A_712 = arith.constant 0 : index
    %get3A_713 = vector.load %arg19[%get3A_710, %get3A_711, %get3A_712] : memref<58x58x128xf32, #tpu.memory_space<vmem>>, vector<56x56x128xf32>
    %reshape3A_714 = vector.shape_cast %get3A_713 : vector<56x56x128xf32> to vector<3136x128xf32>
    %get3A_715 = arith.constant 8 : index
    %get3A_716 = arith.constant 0 : index
    %get3A_717 = arith.constant 0 : index
    %get3A_718 = vector.load %arg12[%get3A_715, %get3A_716, %get3A_717] : memref<9x128x48xf32, #tpu.memory_space<vmem>>, vector<1x128x48xf32>
    %get3A_719 = vector.shape_cast %get3A_718 : vector<1x128x48xf32> to vector<128x48xf32>
    %dot_general3A_720 = arith.constant dense<0.000000e+00> : vector<3136x48xf32>
    %dot_general3A_721 = tpu.matmul %reshape3A_714, %get3A_719, %dot_general3A_720 {dimension_numbers = #tpu.dot_dimension_numbers<[1], [0], [0], [1], [0, 0, 1, 1], [], []>, transpose_lhs_hint = false} : vector<3136x128xf32>, vector<128x48xf32>, vector<3136x48xf32> -> vector<3136x48xf32>
    %add3A_722 = arith.addf %add3A_709, %dot_general3A_721 : vector<3136x48xf32>
    %get3A_723 = arith.constant 0 : index
    %get3A_724 = arith.constant 0 : index
    %get3A_725 = vector.load %arg13[%get3A_723, %get3A_724] : memref<1x48xf32, #tpu.memory_space<vmem>>, vector<1x48xf32>
    %add3A_726 = vector.broadcast %get3A_725 : vector<1x48xf32> to vector<3136x48xf32>
    %add3A_727 = arith.addf %add3A_722, %add3A_726 : vector<3136x48xf32>
    %reshape3A_728 = vector.shape_cast %add3A_727 : vector<3136x48xf32> to vector<56x56x48xf32>
    %swap3A_729 = arith.constant 0 : index
    %swap3A_730 = arith.constant 0 : index
    %swap3A_731 = arith.constant 0 : index
    %swap3A_732 = arith.constant 0 : index
    %swap3A_733 = vector.load %arg14[%swap3A_729, %swap3A_730, %swap3A_731, %swap3A_732] : memref<1x56x56x48xf32, #tpu.memory_space<vmem>>, vector<1x56x56x48xf32>
    %swap3A_734 = vector.shape_cast %swap3A_733 : vector<1x56x56x48xf32> to vector<56x56x48xf32>
    %swap3A_735 = vector.shape_cast %reshape3A_728 : vector<56x56x48xf32> to vector<1x56x56x48xf32>
    tpu.vector_store %arg14[%swap3A_729, %swap3A_730, %swap3A_731, %swap3A_732], %swap3A_735 {strides = array<i32>} : memref<1x56x56x48xf32, #tpu.memory_space<vmem>>, vector<1x56x56x48xf32>,
    %get3A_736 = arith.constant 0 : index
    %get3A_737 = arith.constant 0 : index
    %get3A_738 = arith.constant 0 : index
    %get3A_739 = vector.load %arg2[%get3A_736, %get3A_737, %get3A_738] : memref<1x1x3136xf32, #tpu.memory_space<vmem>>, vector<1x1x3136xf32>
    %get3A_740 = vector.shape_cast %get3A_739 : vector<1x1x3136xf32> to vector<1x3136xf32>
    %reduce_sum3A = arith.constant dense<0.000000e+00> : vector<1xf32>
    %reduce_sum3A_741 = vector.multi_reduction <add>, %get3A_740, %reduce_sum3A [1] : vector<1x3136xf32> to vector<1xf32>
    %broadcast_in_dim3A_742 = vector.shape_cast %reduce_sum3A_741 : vector<1xf32> to vector<1x1xf32>
    %iota3A = tpu.iota {dimensions = array<i32: 1>} : vector<3136x1024xi32>
    %get3A_743 = arith.constant 0 : index
    %get3A_744 = arith.constant 0 : index
    %get3A_745 = arith.constant 0 : index
    %get3A_746 = vector.load %arg3[%get3A_743, %get3A_744, %get3A_745] : memref<1x1x3136xi32, #tpu.memory_space<vmem>>, vector<1x1x3136xi32>
    %get3A_747 = vector.shape_cast %get3A_746 : vector<1x1x3136xi32> to vector<1x3136xi32>
    %reshape3A_748 = vector.shape_cast %get3A_747 : vector<1x3136xi32> to vector<3136x1xi32>
    %eq3A = vector.broadcast %reshape3A_748 : vector<3136x1xi32> to vector<3136x1024xi32>
    %eq3A_749 = arith.cmpi eq, %iota3A, %eq3A : vector<3136x1024xi32>
    %jit3A = arith.constant 1.000000e+00 : f32
    %jit3A_750 = arith.constant 0.000000e+00 : f32
    %broadcast_in_dim3A_751 = vector.broadcast %jit3A : f32 to vector<3136x1024xf32>
    %broadcast_in_dim3A_752 = vector.broadcast %jit3A_750 : f32 to vector<3136x1024xf32>
    %select_n3A = arith.select %eq3A_749, %broadcast_in_dim3A_751, %broadcast_in_dim3A_752 : vector<3136x1024xi1>, vector<3136x1024xf32>
    %broadcast_in_dim3A_753 = arith.constant 1.000000e+00 : f32
    %broadcast_in_dim3A_754 = vector.broadcast %broadcast_in_dim3A_753 : f32 to vector<1x3136xf32>
    %dot_general3A_755 = arith.constant dense<0.000000e+00> : vector<1x1024xf32>
    %dot_general3A_756 = tpu.matmul %broadcast_in_dim3A_754, %select_n3A, %dot_general3A_755 {dimension_numbers = #tpu.dot_dimension_numbers<[1], [0], [0], [1], [0, 0, 1, 1], [], []>, transpose_lhs_hint = false} : vector<1x3136xf32>, vector<3136x1024xf32>, vector<1x1024xf32> -> vector<1x1024xf32>
    %eq3A_757 = arith.constant 0 : i32
    %eq3A_758 = arith.cmpi eq, %arg0, %eq3A_757 : i32
    %convert_element_type3A = arith.extui %eq3A_758 : i1 to i32
    %cond3A = arith.constant 0 : i32
    %cond3A_759 = arith.cmpi ne, %convert_element_type3A, %cond3A : i32
    scf.if %cond3A_759 {
      %broadcast_in_dim3A_781 = arith.constant 0.000000e+00 : f32
      %broadcast_in_dim3A_782 = vector.broadcast %broadcast_in_dim3A_781 : f32 to vector<1x1xf32>
      %swap3A_783 = arith.constant 0 : index
      %swap3A_784 = arith.constant 0 : index
      %swap3A_785 = vector.load %arg15[%swap3A_783, %swap3A_784] : memref<1x1xf32, #tpu.memory_space<vmem>>, vector<1x1xf32>
      tpu.vector_store %arg15[%swap3A_783, %swap3A_784], %broadcast_in_dim3A_782 {strides = array<i32>} : memref<1x1xf32, #tpu.memory_space<vmem>>, vector<1x1xf32>,
      %broadcast_in_dim3A_786 = arith.constant 0.000000e+00 : f32
      %broadcast_in_dim3A_787 = vector.broadcast %broadcast_in_dim3A_786 : f32 to vector<1x1024xf32>
      %swap3A_788 = arith.constant 0 : index
      %swap3A_789 = arith.constant 0 : index
      %swap3A_790 = vector.load %arg20[%swap3A_788, %swap3A_789] : memref<1x1024xf32, #tpu.memory_space<vmem>>, vector<1x1024xf32>
      tpu.vector_store %arg20[%swap3A_788, %swap3A_789], %broadcast_in_dim3A_787 {strides = array<i32>} : memref<1x1024xf32, #tpu.memory_space<vmem>>, vector<1x1024xf32>,
    } else {
    }
    %get3A_760 = arith.constant 0 : index
    %get3A_761 = arith.constant 0 : index
    %get3A_762 = vector.load %arg15[%get3A_760, %get3A_761] : memref<1x1xf32, #tpu.memory_space<vmem>>, vector<1x1xf32>
    %mul3A = arith.constant 7.78509673E-7 : f32
    %mul3A_763 = vector.broadcast %mul3A : f32 to vector<1x1xf32>
    %mul3A_764 = arith.mulf %broadcast_in_dim3A_742, %mul3A_763 : vector<1x1xf32>
    %add3A_765 = arith.addf %get3A_762, %mul3A_764 : vector<1x1xf32>
    %swap3A_766 = arith.constant 0 : index
    %swap3A_767 = arith.constant 0 : index
    %swap3A_768 = vector.load %arg15[%swap3A_766, %swap3A_767] : memref<1x1xf32, #tpu.memory_space<vmem>>, vector<1x1xf32>
    tpu.vector_store %arg15[%swap3A_766, %swap3A_767], %add3A_765 {strides = array<i32>} : memref<1x1xf32, #tpu.memory_space<vmem>>, vector<1x1xf32>,
    %get3A_769 = arith.constant 0 : index
    %get3A_770 = arith.constant 0 : index
    %get3A_771 = vector.load %arg20[%get3A_769, %get3A_770] : memref<1x1024xf32, #tpu.memory_space<vmem>>, vector<1x1024xf32>
    %add3A_772 = arith.addf %get3A_771, %dot_general3A_756 : vector<1x1024xf32>
    %swap3A_773 = arith.constant 0 : index
    %swap3A_774 = arith.constant 0 : index
    %swap3A_775 = vector.load %arg20[%swap3A_773, %swap3A_774] : memref<1x1024xf32, #tpu.memory_space<vmem>>, vector<1x1024xf32>
    tpu.vector_store %arg20[%swap3A_773, %swap3A_774], %add3A_772 {strides = array<i32>} : memref<1x1024xf32, #tpu.memory_space<vmem>>, vector<1x1024xf32>,
    %eq3A_776 = arith.constant 7 : i32
    %eq3A_777 = arith.cmpi eq, %arg0, %eq3A_776 : i32
    %convert_element_type3A_778 = arith.extui %eq3A_777 : i1 to i32
    %cond3A_779 = arith.constant 0 : i32
    %cond3A_780 = arith.cmpi ne, %convert_element_type3A_778, %cond3A_779 : i32
    scf.if %cond3A_780 {
      %get3A_781 = arith.constant 0 : index
      %get3A_782 = arith.constant 0 : index
      %get3A_783 = vector.load %arg20[%get3A_781, %get3A_782] : memref<1x1024xf32, #tpu.memory_space<vmem>>, vector<1x1024xf32>
      %div3A = arith.constant 2.508800e+04 : f32
      %div3A_784 = vector.broadcast %div3A : f32 to vector<1x1024xf32>
      %div3A_785 = arith.divf %get3A_783, %div3A_784 : vector<1x1024xf32>
      %add3A_786 = arith.constant 1.000000e-10 : f32
      %add3A_787 = vector.broadcast %add3A_786 : f32 to vector<1x1024xf32>
      %add3A_788 = arith.addf %div3A_785, %add3A_787 : vector<1x1024xf32>
      %log3A = math.log %add3A_788 : vector<1x1024xf32>
      %mul3A_789 = arith.mulf %div3A_785, %log3A : vector<1x1024xf32>
      %reduce_sum3A_790 = arith.constant dense<0.000000e+00> : vector<1xf32>
      %reduce_sum3A_791 = vector.multi_reduction <add>, %mul3A_789, %reduce_sum3A_790 [1] : vector<1x1024xf32> to vector<1xf32>
      %broadcast_in_dim3A_792 = vector.shape_cast %reduce_sum3A_791 : vector<1xf32> to vector<1x1xf32>
      %neg3A = arith.constant 0.000000e+00 : f32
      %neg3A_793 = vector.broadcast %neg3A : f32 to vector<1x1xf32>
      %neg3A_794 = arith.subf %neg3A_793, %broadcast_in_dim3A_792 : vector<1x1xf32>
      %exp3A = math.exp %neg3A_794 : vector<1x1xf32>
      %swap3A_795 = arith.constant 0 : index
      %swap3A_796 = arith.constant 0 : index
      %swap3A_797 = vector.load %arg16[%swap3A_795, %swap3A_796] : memref<1x1xf32, #tpu.memory_space<vmem>>, vector<1x1xf32>
      tpu.vector_store %arg16[%swap3A_795, %swap3A_796], %exp3A {strides = array<i32>} : memref<1x1xf32, #tpu.memory_space<vmem>>, vector<1x1xf32>,
    } else {
    }
    return
  }
  func.func @transform_0(%arg0: i32) -> (i32, i32, i32) {
    %c0_i32 = arith.constant 0 : i32
    %c0_i32_0 = arith.constant 0 : i32
    %c0_i32_1 = arith.constant 0 : i32
    return %arg0, %c0_i32, %c0_i32_0 : i32, i32, i32
  }
  func.func @transform_1(%arg0: i32) -> (i32, i32, i32) {
    %c0_i32 = arith.constant 0 : i32
    %c0_i32_0 = arith.constant 0 : i32
    %c0_i32_1 = arith.constant 0 : i32
    return %arg0, %c0_i32, %c0_i32_0 : i32, i32, i32
  }
  func.func @transform_2(%arg0: i32) -> (i32, i32, i32) {
    %c0_i32 = arith.constant 0 : i32
    %c0_i32_0 = arith.constant 0 : i32
    %c0_i32_1 = arith.constant 0 : i32
    return %arg0, %c0_i32, %c0_i32_0 : i32, i32, i32
  }
  func.func @transform_3(%arg0: i32) -> (i32, i32, i32) {
    %c0_i32 = arith.constant 0 : i32
    %c0_i32_0 = arith.constant 0 : i32
    %c0_i32_1 = arith.constant 0 : i32
    %c0_i32_2 = arith.constant 0 : i32
    return %c0_i32, %c0_i32_0, %c0_i32_1 : i32, i32, i32
  }
  func.func @transform_4(%arg0: i32) -> (i32, i32) {
    %c0_i32 = arith.constant 0 : i32
    %c0_i32_0 = arith.constant 0 : i32
    %c0_i32_1 = arith.constant 0 : i32
    return %c0_i32, %c0_i32_0 : i32, i32
  }
  func.func @transform_5(%arg0: i32) -> (i32, i32, i32, i32) {
    %c0_i32 = arith.constant 0 : i32
    %c0_i32_0 = arith.constant 0 : i32
    %c0_i32_1 = arith.constant 0 : i32
    %c0_i32_2 = arith.constant 0 : i32
    %c0_i32_3 = arith.constant 0 : i32
    return %c0_i32, %c0_i32_0, %c0_i32_1, %c0_i32_2 : i32, i32, i32, i32
  }
  func.func @transform_6(%arg0: i32) -> (i32, i32, i32) {
    %c0_i32 = arith.constant 0 : i32
    %c0_i32_0 = arith.constant 0 : i32
    %c0_i32_1 = arith.constant 0 : i32
    %c0_i32_2 = arith.constant 0 : i32
    return %c0_i32, %c0_i32_0, %c0_i32_1 : i32, i32, i32
  }
  func.func @transform_7(%arg0: i32) -> (i32, i32, i32) {
    %c0_i32 = arith.constant 0 : i32
    %c0_i32_0 = arith.constant 0 : i32
    %c0_i32_1 = arith.constant 0 : i32
    %c0_i32_2 = arith.constant 0 : i32
    return %c0_i32, %c0_i32_0, %c0_i32_1 : i32, i32, i32
  }
  func.func @transform_8(%arg0: i32) -> (i32, i32, i32) {
    %c0_i32 = arith.constant 0 : i32
    %c0_i32_0 = arith.constant 0 : i32
    %c0_i32_1 = arith.constant 0 : i32
    %c0_i32_2 = arith.constant 0 : i32
    return %c0_i32, %c0_i32_0, %c0_i32_1 : i32, i32, i32
  }
  func.func @transform_9(%arg0: i32) -> (i32, i32, i32) {
    %c0_i32 = arith.constant 0 : i32
    %c0_i32_0 = arith.constant 0 : i32
    %c0_i32_1 = arith.constant 0 : i32
    %c0_i32_2 = arith.constant 0 : i32
    return %c0_i32, %c0_i32_0, %c0_i32_1 : i32, i32, i32
  }
  func.func @transform_10(%arg0: i32) -> (i32, i32) {
    %c0_i32 = arith.constant 0 : i32
    %c0_i32_0 = arith.constant 0 : i32
    %c0_i32_1 = arith.constant 0 : i32
    return %c0_i32, %c0_i32_0 : i32, i32
  }
  func.func @transform_11(%arg0: i32) -> (i32, i32, i32) {
    %c0_i32 = arith.constant 0 : i32
    %c0_i32_0 = arith.constant 0 : i32
    %c0_i32_1 = arith.constant 0 : i32
    %c0_i32_2 = arith.constant 0 : i32
    return %c0_i32, %c0_i32_0, %c0_i32_1 : i32, i32, i32
  }
  func.func @transform_12(%arg0: i32) -> (i32, i32) {
    %c0_i32 = arith.constant 0 : i32
    %c0_i32_0 = arith.constant 0 : i32
    %c0_i32_1 = arith.constant 0 : i32
    return %c0_i32, %c0_i32_0 : i32, i32
  }
  func.func @transform_13(%arg0: i32) -> (i32, i32, i32, i32) {
    %c0_i32 = arith.constant 0 : i32
    %c0_i32_0 = arith.constant 0 : i32
    %c0_i32_1 = arith.constant 0 : i32
    %c0_i32_2 = arith.constant 0 : i32
    return %arg0, %c0_i32, %c0_i32_0, %c0_i32_1 : i32, i32, i32, i32
  }
  func.func @transform_14(%arg0: i32) -> (i32, i32) {
    %c0_i32 = arith.constant 0 : i32
    %c0_i32_0 = arith.constant 0 : i32
    %c0_i32_1 = arith.constant 0 : i32
    return %c0_i32, %c0_i32_0 : i32, i32
  }
  func.func @transform_15(%arg0: i32) -> (i32, i32) {
    %c0_i32 = arith.constant 0 : i32
    %c0_i32_0 = arith.constant 0 : i32
    %c0_i32_1 = arith.constant 0 : i32
    return %c0_i32, %c0_i32_0 : i32, i32
  }
}

</mosaic_0001>

<sc_bundles>
// kernel: kernel.5.cloned.1.call-start
scs
__scs_entry_jumppad:
0x0: {  	(pc) =	sbr.rel $0x88, $3  }
0x1: {  	(tag) =	ssettag $0x0;
	lr =	simm.s32 $0x1  }
0x2: {  	[smem:$0x3F81] =	sst lr;
	_ =	strace $0xD0000000  }
0x3: {  	_ = 	snop  }
0x4: {  	_ = 	snop  }
0x5: {  	_ = 	snop  }
0x6: {  	_ = 	snop  }
0x7: {  	_ = 	snop  }
__scs_overlays_trampoline_lowered:
0x8: {  	[smem:$0x3F90] =	sst s0  }
0x9: {  	[smem:$0x3F91] =	sst s1  }
0xa: {  	[smem:$0x3F92] =	sst s2  }
0xb: {  	[smem:$0x3F93] =	sst s3  }
0xc: {  	[smem:$0x3F94] =	sst s4  }
0xd: {  	[smem:$0x3F95] =	sst s5  }
0xe: {  	[smem:$0x3F96] =	sst s6  }
0xf: {  	[smem:$0x3F97] =	sst s7  }
0x10: {  	[smem:$0x3F98] =	sst s8  }
0x11: {  	[smem:$0x3F99] =	sst s9;
	s0 =	simm.s32 @!p0 $0x0  }
0x12: {  	s1 =	sld [smem:$0x3F7F];
	s0 =	simm.s32 @p0 $0x1  }
0x13: {  	[smem:$0x3F9A] =	sst s0;
	s0 =	simm.s32 @!p1 $0x0  }
0x14: {  	s2 =	sld [smem:$0x3F7E];
	s0 =	simm.s32 @p1 $0x1  }
0x15: {  	[smem:$0x3F9B] =	sst s0;
	s0 =	simm.s32 @!p2 $0x0  }
0x16: {  	s3 =	sld [smem:$0x3FDB];
	s0 =	simm.s32 @p2 $0x1  }
0x17: {  	s4 =	simm.s32 $0x1BF5;
	[smem:$0x3F9D] =	sst s0  }
0x18: {  	s0 =	sld [smem:$0x3F80];
	_ =	swait.ge [sflag:s4], $0x0  }
0x19: {  	s7 =	sld [smem:$0x3F81]  }
0x1a: {  	s8 =	sadd.s32 $0xFFFFE003, lr  }
0x1b: {  	s9 =	sadd.s32 $0xFFFFFEF7, lr;
	s5 =	simm.s32 $0xFFFFFFFF;
	p2 =	slt.u32 s8, $0xFFFFF086  }
0x1c: {  	p1 =	slt.u32 s9, $0xF7A;
	s5 =	simm.s32 @!p2 $0x0  }
0x1d: {  	s5 =	simm.s32 @p1 $0x1;
	p0 =	seq.s32 s7, s2  }
0x1e: {  	s7 =	smul.u32 @!p0 $0xF7A, s2;
	p2 =	seq.s32 @!p0 s5, $0x0  }
0x1f: {  	s9 =	smul.u32 $0xF7A, s1;
	s8 =	simm.s32 @!p0 $0x1BF5;
	p2 =	por !p2, p0  }
0x20: {  	[sflag:s8] =	ssyncset.s32 @!p0 $0xFFFFF086;
	s6 =	sadd.s32 @!p0 s3, s7;
	s7 =	simm.s32 @!p0 $0x108  }
0x21: {  	s3 =	sadd.s32 s3, s9;
	s6 =	sadd.s32 @!p0 $0x88, s6;
	s7 =	simm.s32 @p2 $0x1082  }
0x22: {  	[simem:s7], [sflag:s8] =	dma.local @!p0 [hbm:s6], $0xF7A  }
0x23: {  	s9 =	sor.u32 $0xD0000000, s2;
	s6 =	simm.s32 $0x108;
	_ =	swait.ge @!p0 [sflag:s8], $0x0  }
0x24: {  	s3 =	sadd.s32 $0x88, s3;
	s6 =	simm.s32 @!p1 $0x1082;
	[sflag:s4] =	ssyncset.s32 $0xFFFFF086  }
0x25: {  	[simem:s6], [sflag:s4] =	dma.local [hbm:s3], $0xF7A  }
0x26: {  	[smem:$0x3F81] =	sst s1;
	(tag) =	ssettag s2;
	_ =	strace s9  }
0x27: {  	s1 =	sld [smem:$0x3F91]  }
0x28: {  	s2 =	sld [smem:$0x3F92]  }
0x29: {  	s4 =	sld [smem:$0x3F94]  }
0x2a: {  	p0 =	seq.s32 s5, $0x0;
	s5 =	sld [smem:$0x3F95]  }
0x2b: {  	s6 =	sld [smem:$0x3F96]  }
0x2c: {  	s7 =	sld [smem:$0x3F97]  }
0x2d: {  	s3 =	simm.s32 $0x108;
	s8 =	sld [smem:$0x3F98]  }
0x2e: {  	s3 =	simm.s32 @!p0 $0x1082;
	s9 =	sld [smem:$0x3F99]  }
0x2f: {  	lr =	sadd.s32 s0, s3;
	s0 =	sld [smem:$0x3F90]  }
0x30: {  	s3 =	sld [smem:$0x3F93]  }
0x31: {  	[smem:$0x3F9C] =	sst s10  }
0x32: {  	s10 =	sld [smem:$0x3F9A];
	_ =	sdelay $0x3  }
0x33: {  	p0 =	seq.s32 s10, $0x1;
	s10 =	sld [smem:$0x3F9C];
	_ =	sdelay $0x3  }
0x34: {  	[smem:$0x3F9C] =	sst s10  }
0x35: {  	s10 =	sld [smem:$0x3F9B];
	_ =	sdelay $0x3  }
0x36: {  	p1 =	seq.s32 s10, $0x1;
	s10 =	sld [smem:$0x3F9C];
	_ =	sdelay $0x3  }
0x37: {  	[smem:$0x3F9C] =	sst s10  }
0x38: {  	s10 =	sld [smem:$0x3F9D]  }
0x39: {  	_ = 	snop;
	(pc) =	sbr.ind lr, $3  }
0x3a: {  	_ = 	snop  }
0x3b: {  	_ = 	snop  }
0x3c: {  	p2 =	seq.s32 s10, $0x1;
	s10 =	sld [smem:$0x3F9C]  }
0x3d: {  	_ =	shalt  }
0x3e: {  	_ =	shalt  }
0x3f: {  	_ =	shalt  }
0x40: {  	_ =	shalt  }
0x41: {  	_ =	shalt  }
0x42: {  	_ =	shalt  }
0x43: {  	_ =	shalt  }
0x44: {  	_ =	shalt  }
0x45: {  	_ =	shalt  }
0x46: {  	_ =	shalt  }
0x47: {  	_ =	shalt  }
0x48: {  	_ =	shalt  }
0x49: {  	_ =	shalt  }
0x4a: {  	_ =	shalt  }
0x4b: {  	_ =	shalt  }
0x4c: {  	_ =	shalt  }
0x4d: {  	_ =	shalt  }
0x4e: {  	_ =	shalt  }
0x4f: {  	_ =	shalt  }
0x50: {  	_ =	shalt  }
0x51: {  	_ =	shalt  }
0x52: {  	_ =	shalt  }
0x53: {  	_ =	shalt  }
0x54: {  	_ =	shalt  }
0x55: {  	_ =	shalt  }
0x56: {  	_ =	shalt  }
0x57: {  	_ =	shalt  }
0x58: {  	_ =	shalt  }
0x59: {  	_ =	shalt  }
0x5a: {  	_ =	shalt  }
0x5b: {  	_ =	shalt  }
0x5c: {  	_ =	shalt  }
0x5d: {  	_ =	shalt  }
0x5e: {  	_ =	shalt  }
0x5f: {  	_ =	shalt  }
0x60: {  	_ =	shalt  }
0x61: {  	_ =	shalt  }
0x62: {  	_ =	shalt  }
0x63: {  	_ =	shalt  }
0x64: {  	_ =	shalt  }
0x65: {  	_ =	shalt  }
0x66: {  	_ =	shalt  }
0x67: {  	_ =	shalt  }
0x68: {  	_ =	shalt  }
0x69: {  	_ =	shalt  }
0x6a: {  	_ =	shalt  }
0x6b: {  	_ =	shalt  }
0x6c: {  	_ =	shalt  }
0x6d: {  	_ =	shalt  }
0x6e: {  	_ =	shalt  }
0x6f: {  	_ =	shalt  }
0x70: {  	_ =	shalt  }
0x71: {  	_ =	shalt  }
0x72: {  	_ =	shalt  }
0x73: {  	_ =	shalt  }
0x74: {  	_ =	shalt  }
0x75: {  	_ =	shalt  }
0x76: {  	_ =	shalt  }
0x77: {  	_ =	shalt  }
0x78: {  	_ =	shalt  }
0x79: {  	_ =	shalt  }
0x7a: {  	_ =	shalt  }
0x7b: {  	_ =	shalt  }
0x7c: {  	_ =	shalt  }
0x7d: {  	_ =	shalt  }
0x7e: {  	_ =	shalt  }
0x7f: {  	_ =	shalt  }
0x80: {  	_ =	shalt  }
0x81: {  	_ =	shalt  }
0x82: {  	_ =	shalt  }
0x83: {  	_ =	shalt  }
0x84: {  	_ =	shalt  }
0x85: {  	_ =	shalt  }
0x86: {  	_ =	shalt  }
0x87: {  	_ =	shalt  }
.Lfunc_end0:
.L_simem_size_0:
called_computation_lowered:
.L_overlay_start_0:
0x88: {  	s2 =	sld [smem:$0x3FD9]  }
0x89: {  	s3 =	sld [smem:$0x3FFE];
	_ =	sdelay $0x1  }
0x8a: {  	s1 =	srdreg.scid  }
0x8b: {  	s0 =	sand.u32 $0x1, s1  }
0x8c: {  	s14 =	sshll.u32 s0, $0xA;
	s2 =	sadd.s32 s3, s2  }
0x8d: {  	s2 =	sadd.s32 s2, s14  }
0x8e: {  	[smem:$0x3FA8] =	sst s2  }
0x8f: {  	_ = 	snop  }
0x90: {  	s2 =	sld [smem:$0x3FD0];
	_ =	sdelay $0x2  }
0x91: {  	s15 =	simm.s32 $0xA;
	s4 =	simm.s32 $0x10  }
0x92: {  	[smem:s4], [sflag:s15] =	dma.local [hbm:s2], $0x1  }
0x93: {  	_ =	swait.eq [sflag:s15], $0x1  }
0x94: {  	[sflag:s15] =	ssyncset.done $0x0  }
0x95: {  	s16 =	sld [smem:$0x10];
	[sflag:s15] =	ssyncadd.s32 $0xFFFFFFFF  }
0x96: {  	s17 =	sld [smem:$0x13];
	(tm) =	ssettm $0x1  }
0x97: {  	s18 =	sld [smem:$0x3FFB];
	_ =	sdelay $0x3  }
0x98: {  	_ =	strace s18  }
0x99: {  	s4 =	sld [smem:$0x3FFC];
	_ =	sdelay $0x3  }
0x9a: {  	_ =	strace s4  }
0x9b: {  	s4 =	sld [smem:$0x3FFD];
	_ =	sdelay $0x3  }
0x9c: {  	_ =	strace s4  }
0x9d: {  	_ =	strace $0x8FFFFFFF  }
0x9e: {  	s19 =	sld [smem:$0x3FDB];
	_ =	sdelay $0x1  }
0x9f: {  	s5 =	simm.s32 $_scs_section_size  }
0xa0: {  	s6 =	simm.s32 $_size__tile_overlayer_lowered;
	s7 =	simm.s32 $_tile_overlayer_lowered  }
0xa1: {  	s22 =	simm.s32 $0x1BFF;
	s21 =	sshll.u32 s7, $0x1;
	s4 =	sadd.s32 s5, s19  }
0xa2: {  	s8 =	simm.s32 $0x0;
	s20 =	sshll.u32 s6, $0x1;
	s6 =	sadd.s32 s21, s4  }
0xa3: {  	[timem:s8], [sflag:s22] =	dma.local [hbm:s6], s20  }
0xa4: {  	_ =	swait.ge [sflag:s22], s20  }
0xa5: {  	s5 =	ssub.s32 $0x0, s20;
	[sflag:s22] =	ssyncset.done $0x0  }
0xa6: {  	[sflag:s22] =	ssyncadd.s32 s5;
	_ =	sdelay $0x1  }
0xa7: {  	s23 =	simm.s32 $0x1B8B  }
0xa8: {  	_ =	swait.ge [sflag:s23], $0x1  }
0xa9: {  	[sflag:s23] =	ssyncset.done $0x0  }
0xaa: {  	s25 =	simm.s32 $0x1B8E;
	s24 =	sld [smem:$0x3FFE];
	[sflag:s23] =	ssyncadd.s32 $0xFFFFFFFF  }
0xab: {  	s26 =	simm.s32 $execute0_lowered;
	[smem:$0x3FD2] =	sst s25  }
0xac: {  	s6 =	sshll.u32 s26, $0x1;
	_ =	strace $0x80000046;
	[dreg:$0x1] =	wrdreg $0xFFFFFFFF  }
0xad: {  	s28 =	simm.s32 $_size_execute0_lowered;
	s4 =	sadd.s32 s4, s6;
	[dreg:$0x0] =	wrdreg $0x0  }
0xae: {  	s6 =	sshll.u32 s28, $0x1;
	[dreg:$0x2] =	wrdreg s4  }
0xaf: {  	[dreg:$0x3] =	wrdreg s6  }
0xb0: {  	[dreg:$0x4] =	wrdreg $0xC0  }
0xb1: {  	_ =	task [dreg:s8], $0x5FFFF  }
0xb2: {  	[dreg:$0x1] =	wrdreg $0xFFFFFFFF  }
0xb3: {  	[dreg:$0x0] =	wrdreg $0x60  }
0xb4: {  	[dreg:$0x2] =	wrdreg s16  }
0xb5: {  	[dreg:$0x3] =	wrdreg s17  }
0xb6: {  	[dreg:$0x4] =	wrdreg s24  }
0xb7: {  	[dreg:$0x5] =	wrdreg $0x18B800  }
0xb8: {  	[dreg:$0x6] =	wrdreg $0x9  }
0xb9: {  	_ =	task.clear_ibuf [dreg:s8], $0x7FFFF;
	_ =	strace $0x90000046  }
0xba: {  	s29 =	simm.s32 $0x9;
	_ =	strace $0x80000048  }
0xbb: {  	_ =	swait.ge [sflag:s29], $0x1  }
0xbc: {  	[sflag:s29] =	ssyncadd.s32 $0xFFFFFFFF  }
0xbd: {  	_ =	strace $0x90000048  }
0xbe: {  	_ =	sfence  }
0xbf: {  	s30 =	sld [smem:$0x0];
	_ =	sdelay $0x2  }
0xc0: {  	s31 =	sshll.u32 s1, $0xD;
	s1 =	sshrl.u32 s1, $0x2  }
0xc1: {  	s3 =	sand.u32 $0x4000, s31;
	s1 =	sadd.s32 s1, s30  }
0xc2: {  	s0 =	sor.u32 s3, s0;
	s1 =	sshll.u32 s1, $0x11  }
0xc3: {  	s0 =	sor.u32 s1, s0  }
0xc4: {  	s0 =	sadd.s32 $0x8F2B, s0  }
0xc5: {  	[sflag:s0] =	ssyncadd.remote.s32 $0x1  }
0xc6: {  	_ =	sfence.sel $0xFFFF  }
0xc7: {  	[dreg:$0x0] =	wrdreg $0xFFFFFFFF;
	(pc) =	sbr.abs _section_cstart, $3  }
0xc8: {  	[dreg:$0x1] =	wrdreg $0xFFFFFFFF  }
0xc9: {  	_ =	task.clear_ibuf [dreg:s8], $0x2FFFF;
	_ =	strace $0x9FFFFFFF  }
0xca: {  	(tm) =	ssettm $0x7FFFFFFF  }
0xcb: {  	_ =	shalt  }
tec
execute0_lowered:
.L_overlay_start_1:
0x0: {  	(tag) =	ssettag $0x1  }
0x1: {  	s0 =	srdreg.scid;
	s7 =	stileid.u32  }
0x2: {  	s6 =	sand.u32 $0x1, s0;
	s2 =	sshll.u32 s7, $0x1  }
0x3: {  	s8 =	sor.u32 s6, s2;
	s6 =	ssub.s32 $0x2, s6  }
0x4: {  	s3 =	rddreg [dreg:$0x0];
	s10 =	sshrl.u32 s6, $0x1  }
0x5: {  	s4 =	rddreg [dreg:$0x1];
	s30 =	ssub.s32 s6, s10  }
0x6: {  	s5 =	rddreg [dreg:$0x2];
	s31 =	smax.u32 s30, $0x1  }
0x7: {  	s1 =	rddreg [dreg:$0x3];
	s13 =	sadd.s32 $0xFFFFFFFF, s31  }
0x8: {  	p1 =	por $0x0, $0x0;
	s9 =	smul.u32 $0x3100, s8;
	p2 =	sne.s32 s13, $0x0  }
.Ltmp0:
0x9: {  	s0 =	rddreg [dreg:$0x4];
	s2 =	simm.s32 $0x0;
	(pc) =	sbr.rel @!p2 .LBB2_3-.Ltmp0, $4  }
0xa: {  	p0 =	sne.s32 s7, $0x0;
	[smem:$0x7FF] =	sst s2;
	s8 =	smul.u32 $0x62, s8  }
0xb: {  	s7 =	simm.s32 $0x380;
	_ =	strace $0x80000047;
	s10 =	sshrl.u32 @!p0 s1, $0x3  }
0xc: {  	s5 =	sadd.s32 s9, s5;
	s6 =	sadd.s32 s4, s8;
	s8 =	simm.s32 $0x310  }
0xd: {  	s9 =	simm.s32 $0x1;
	s4 =	sadd.s32 $0x8800, s5;
	s5 =	simm.s32 $0x2  }
0xe: {  	s11 =	simm.s32 @!p0 $0x1C02;
	s12 =	simm.s32 @!p0 $0x2  }
0xf: {  	[spmem:s10], [sflag:s11] =	dma.local @!p0 [hbm:s3], $0x4000  }
0x10: {  	_ =	swait.ge @!p0 [sflag:s12], $0x4000  }
0x11: {  	[sflag:s12] =	ssyncset.done @!p0 $0x0  }
0x12: {  	[sflag:s12] =	ssyncadd.s32 @!p0 $0xFFFFC000  }
0x13: {  	[tilespmem:s2], [sflag:$0x2] =	stream.linear.gather [hbm4b:s6+s2], $0x310, $0x38;
	[tilespmem:$0x1AB80] =	vst v63  }
0x14: {  	_ =	swait.ge [sflag:s5], $0x310  }
0x15: {  	[sflag:s5] =	ssyncset.done $0x0  }
0x16: {  	[sflag:s5] =	ssyncadd.s32 $0xFFFFFCF0  }
0x17: {  	s13 =	sadd.s32 $0xFFFFFFFF, s13;
	[bflag:$0x0] =	sbarrier.arrive $0xFFFF  }
0x18: {  	[tilespmem:s7], [sflag:$0x1] =	stream.indirect.gather [spmem:s1], $0x80, s2, s8, $0xb8;
	[tilespmem:$0x1AB80] =	vst v63  }
0x19: {  	p2 =	sne.s32 s13, $0x0;
	_ =	swait.ge [sflag:s9], $0x18800  }
.Ltmp1:
0x1a: {  	[sflag:s9] =	ssyncset.done $0x0;
	(pc) =	sbr.rel @!p2 .LBB2_3-.Ltmp1, $4  }
0x1b: {  	[sflag:s9] =	ssyncadd.s32 $0xFFFE7800  }
0x1c: {  	[hbm4b:s4+s2] =	stream.linear.scatter [tilespmem:s7], [sflag:$0x2], $0x18800, $0x38;
	[tilespmem:$0x1AB80] =	vst v63  }
0x1d: {  	_ =	swait.ge [sflag:s5], $0x18800  }
0x1e: {  	p1 =	por $0x1, $0x1;
	[sflag:s5] =	ssyncset.done $0x0  }
.LBB2_2:
0x1f: {  	[sflag:s5] =	ssyncadd.s32 $0xFFFE7800  }
0x20: {  	[spmem:s10], [sflag:s11] =	dma.local @!p0 [hbm:s3], $0x4000  }
0x21: {  	s13 =	sadd.s32 $0xFFFFFFFF, s13;
	_ =	swait.ge @!p0 [sflag:s12], $0x4000  }
0x22: {  	p2 =	sne.s32 s13, $0x0;
	[sflag:s12] =	ssyncset.done @!p0 $0x0  }
0x23: {  	[sflag:s12] =	ssyncadd.s32 @!p0 $0xFFFFC000  }
0x24: {  	[tilespmem:s2], [sflag:$0x2] =	stream.linear.gather [hbm4b:s6+s2], $0x310, $0x38;
	[tilespmem:$0x1AB80] =	vst v63  }
0x25: {  	_ =	swait.ge [sflag:s5], $0x310  }
0x26: {  	[sflag:s5] =	ssyncset.done $0x0  }
0x27: {  	[sflag:s5] =	ssyncadd.s32 $0xFFFFFCF0  }
0x28: {  	[bflag:$0x0] =	sbarrier.arrive $0xFFFF  }
0x29: {  	[tilespmem:s7], [sflag:$0x1] =	stream.indirect.gather [spmem:s1], $0x80, s2, s8, $0xb8;
	[tilespmem:$0x1AB80] =	vst v63  }
0x2a: {  	_ =	swait.ge [sflag:s9], $0x18800  }
.Ltmp2:
0x2b: {  	[sflag:s9] =	ssyncset.done $0x0;
	(pc) =	sbr.rel @p2 .LBB2_2-.Ltmp2, $4  }
0x2c: {  	[sflag:s9] =	ssyncadd.s32 $0xFFFE7800  }
0x2d: {  	[hbm4b:s4+s2] =	stream.linear.scatter [tilespmem:s7], [sflag:$0x2], $0x18800, $0x38;
	[tilespmem:$0x1AB80] =	vst v63  }
0x2e: {  	_ =	swait.ge [sflag:s5], $0x18800  }
0x2f: {  	[sflag:s5] =	ssyncset.done $0x0  }
.LBB2_3:
0x30: {  	s11 =	simm.s32 @!p0 $0x1C02;
	s12 =	simm.s32 @!p0 $0x2;
	[sflag:s5] =	ssyncadd.s32 @p1 $0xFFFE7800  }
0x31: {  	[spmem:s10], [sflag:s11] =	dma.local @!p0 [hbm:s3], $0x4000  }
0x32: {  	_ =	swait.ge @!p0 [sflag:s12], $0x4000  }
0x33: {  	[sflag:s12] =	ssyncset.done @!p0 $0x0  }
0x34: {  	[sflag:s12] =	ssyncadd.s32 @!p0 $0xFFFFC000  }
0x35: {  	[tilespmem:s2], [sflag:$0x2] =	stream.linear.gather [hbm4b:s6+s2], $0x310, $0x38;
	[tilespmem:$0x1AB80] =	vst v63  }
0x36: {  	_ =	swait.ge [sflag:s5], $0x310  }
0x37: {  	[sflag:s5] =	ssyncset.done $0x0  }
0x38: {  	[sflag:s5] =	ssyncadd.s32 $0xFFFFFCF0  }
0x39: {  	[bflag:$0x0] =	sbarrier.arrive $0xFFFF  }
0x3a: {  	[tilespmem:s7], [sflag:$0x1] =	stream.indirect.gather [spmem:s1], $0x80, s2, s8, $0xb8;
	[tilespmem:$0x1AB80] =	vst v63  }
0x3b: {  	_ =	swait.ge [sflag:s9], $0x18800  }
0x3c: {  	[sflag:s9] =	ssyncset.done $0x0  }
0x3d: {  	[sflag:s9] =	ssyncadd.s32 $0xFFFE7800  }
0x3e: {  	[hbm4b:s4+s2] =	stream.linear.scatter [tilespmem:s7], [sflag:$0x2], $0x18800, $0x38;
	[tilespmem:$0x1AB80] =	vst v63  }
0x3f: {  	_ =	swait.ge [sflag:s5], $0x18800  }
0x40: {  	[sflag:s5] =	ssyncset.done $0x0  }
0x41: {  	[sflag:s5] =	ssyncadd.s32 $0xFFFE7800  }
0x42: {  	_ =	sfence.sel $0x180000  }
0x43: {  	[bflag:$0x0] =	sbarrier.arrive $0xFFFF  }
0x44: {  	_ =	strace $0x90000047  }
0x45: {  	s0 =	sadd.s32 @!p0 $0x100000, s0;
	[bflag:$0x2] =	sbarrier.arrive $0xFFFF  }
0x46: {  	[sflag:s0] =	ssyncadd.tile.s32 @!p0 $0x1;
	_ =	shalt  }
.Lfunc_end2:
_tile_overlayer_lowered:
.L_overlay_start_2:
0x47: {  	(tag) =	ssettag $0x2  }
0x48: {  	s0 =	rddreg [dreg:$0x0];
	s2 =	stileid.u32  }
0x49: {  	s1 =	rddreg [dreg:$0x1];
	p0 =	sne.s32 s2, $0x0  }
0x4a: {  	s3 =	rddreg [dreg:$0x2];
	[bflag:$0x3] =	sbarrier.arrive $0xFFFF;
	s2 =	simm.s32 @!p0 $0x1C02  }
0x4b: {  	[timem:s3], [sflag:s2] =	dma.local @!p0 [hbm:s0], s1  }
0x4c: {  	s0 =	simm.s32 @!p0 $0x2  }
0x4d: {  	_ =	swait.ge @!p0 [sflag:s0], s1  }
0x4e: {  	s1 =	ssub.s32 @!p0 $0x0, s1;
	[sflag:s0] =	ssyncset.done @!p0 $0x0  }
0x4f: {  	[sflag:s0] =	ssyncadd.s32 @!p0 s1  }
0x50: {  	[bflag:$0x3] =	sbarrier.arrive $0xFFFF  }
0x51: {  	_ =	shalt  }

</sc_bundles>
